<compile_context>
chip_gen: v7x
topology: tpu7x:2x2x1
jax: 0.10.2.dev20260603
libtpu: 0.0.44.dev20260713+nightly
codegen_flags: <defaults>
</compile_context>

<pallas_src>
import functools
import math

import jax
import jax.numpy as jnp
from jax import lax
from jax.experimental import pallas as pl
from jax.experimental.pallas import tpu as pltpu
from jax.experimental.pallas import tpu_sc as plsc

S, D, H, E, K, F = 2048, 768, 12, 8, 2, 2048
DH = D // H
QB = 512
NQB = S // QB
GP = H // 2
TT = 256
NT = (S * K) // TT
G = NT + E - 1
NSC = 32


KC = 1024
QC = 1024


def _qkv_body(x_ref, wq, wk, wv, bq, bk, bv, q_ref, k_ref, v_ref):
    x = x_ref[...]
    q = jnp.dot(x, wq[...], preferred_element_type=jnp.float32) + bq[...]
    k = jnp.dot(x, wk[...], preferred_element_type=jnp.float32) + bk[...]
    v = jnp.dot(x, wv[...], preferred_element_type=jnp.float32) + bv[...]
    q_ref[...] = q.astype(jnp.bfloat16)
    k_ref[...] = k.astype(jnp.bfloat16)
    v_ref[...] = v


def _qkv_proj(x2, Wq, bq, Wk, bk, Wv, bv):
    return pl.pallas_call(
        _qkv_body,
        grid=(NQB,),
        in_specs=[
            pl.BlockSpec((QB, D), lambda i: (i, 0)),
            pl.BlockSpec((D, D), lambda i: (0, 0)),
            pl.BlockSpec((D, D), lambda i: (0, 0)),
            pl.BlockSpec((D, D), lambda i: (0, 0)),
            pl.BlockSpec((1, D), lambda i: (0, 0)),
            pl.BlockSpec((1, D), lambda i: (0, 0)),
            pl.BlockSpec((1, D), lambda i: (0, 0)),
        ],
        out_specs=[
            pl.BlockSpec((QB, D), lambda i: (i, 0)),
            pl.BlockSpec((QB, D), lambda i: (i, 0)),
            pl.BlockSpec((QB, D), lambda i: (i, 0)),
        ],
        out_shape=[
            jax.ShapeDtypeStruct((S, D), jnp.bfloat16),
            jax.ShapeDtypeStruct((S, D), jnp.bfloat16),
            jax.ShapeDtypeStruct((S, D), jnp.float32),
        ],
    )(x2, Wq, Wk, Wv, bq.reshape(1, D), bk.reshape(1, D), bv.reshape(1, D))


def _attn_body(q_ref, k_ref, v_ref, o_ref):
    q = q_ref[...]
    for hh in range(2):
        sl = slice(hh * DH, (hh + 1) * DH)
        s = lax.dot_general(q[:, sl], k_ref[:, sl], (((1,), (1,)), ((), ())),
                            preferred_element_type=jnp.float32) * 0.125
        s0 = s[:, :KC]
        m = jnp.max(s0, axis=-1, keepdims=True)
        ex = jnp.exp(s0 - m)
        ssum = jnp.sum(ex, axis=-1, keepdims=True)
        acc = jnp.dot(ex, v_ref[:KC, sl].astype(jnp.float32),
                      preferred_element_type=jnp.float32)
        s1 = s[:, KC:]
        m1 = jnp.max(s1, axis=-1, keepdims=True)
        m_new = jnp.maximum(m, m1)
        delta = jnp.where(m == m_new, 0.0, m - m_new)
        corr = jnp.exp(delta)
        ex1 = jnp.exp(s1 - m_new)
        ssum = corr * ssum + jnp.sum(ex1, axis=-1, keepdims=True)
        acc = corr * acc + jnp.dot(ex1, v_ref[KC:, sl].astype(jnp.float32),
                                   preferred_element_type=jnp.float32)
        o_ref[:, sl] = (acc * (1.0 / ssum)).astype(jnp.bfloat16)


def _attention(q16, k16, v):
    return pl.pallas_call(
        _attn_body,
        grid=(GP, S // QC),
        in_specs=[
            pl.BlockSpec((QC, 2 * DH), lambda g, qb: (qb, g)),
            pl.BlockSpec((S, 2 * DH), lambda g, qb: (0, g)),
            pl.BlockSpec((S, 2 * DH), lambda g, qb: (0, g)),
        ],
        out_specs=pl.BlockSpec((QC, 2 * DH), lambda g, qb: (qb, g)),
        out_shape=jax.ShapeDtypeStruct((S, D), jnp.bfloat16),
    )(q16, k16, v)


def _proj_ln1_body(o_ref, wo_ref, bo_ref, w_ref, b_ref, x_ref, h_ref, h16_ref):
    a = jnp.dot(o_ref[...].astype(jnp.float32), wo_ref[...],
                preferred_element_type=jnp.float32) + bo_ref[...]
    mu = jnp.sum(a, axis=-1, keepdims=True) * jnp.float32(1.0 / D)
    var = jnp.sum((a - mu) ** 2, axis=-1, keepdims=True) * jnp.float32(1.0 / D)
    y = (a - mu) / jnp.sqrt(var + 1e-5) * w_ref[...] + b_ref[...]
    h = x_ref[...] + y
    h_ref[...] = h
    h16_ref[...] = h.astype(jnp.bfloat16)


def _proj_ln1(o, Wo, bo, ln1_w, ln1_b, x2):
    return pl.pallas_call(
        _proj_ln1_body,
        grid=(NQB,),
        in_specs=[
            pl.BlockSpec((QB, D), lambda i: (i, 0)),
            pl.BlockSpec((D, D), lambda i: (0, 0)),
            pl.BlockSpec((1, D), lambda i: (0, 0)),
            pl.BlockSpec((1, D), lambda i: (0, 0)),
            pl.BlockSpec((1, D), lambda i: (0, 0)),
            pl.BlockSpec((QB, D), lambda i: (i, 0)),
        ],
        out_specs=[
            pl.BlockSpec((QB, D), lambda i: (i, 0)),
            pl.BlockSpec((QB, D), lambda i: (i, 0)),
        ],
        out_shape=[
            jax.ShapeDtypeStruct((S, D), jnp.float32),
            jax.ShapeDtypeStruct((S, D), jnp.bfloat16),
        ],
    )(o, Wo, bo.reshape(1, D), ln1_w.reshape(1, D), ln1_b.reshape(1, D), x2)


def _lane_cumsum_excl(v, n):
    c = v
    sh = 1
    while sh < n:
        c = c + jnp.concatenate([jnp.zeros((1, sh), jnp.float32), c[:, : n - sh]],
                                axis=1)
        sh *= 2
    return c - v


def _route_body(h_ref, gw_ref, gb_ref, pos_ref, meta_ref, vals_ref):
    hh = h_ref[...]
    logits = jnp.dot(hh, gw_ref[...], preferred_element_type=jnp.float32) + gb_ref[...]
    m = jnp.max(logits, axis=-1, keepdims=True)
    ex = jnp.exp(logits - m)
    p = ex / jnp.sum(ex, axis=-1, keepdims=True)
    io8 = lax.broadcasted_iota(jnp.int32, (S, E), 1)
    v1 = jnp.max(p, axis=-1, keepdims=True)
    i1 = jnp.min(jnp.where(p == v1, io8, E), axis=-1, keepdims=True)
    pm = jnp.where(io8 == i1, -jnp.inf, p)
    v2 = jnp.max(pm, axis=-1, keepdims=True)
    i2 = jnp.min(jnp.where(pm == v2, io8, E), axis=-1, keepdims=True)
    vals_ref[...] = jnp.concatenate([v1, v2], axis=1)

    oh0 = (io8 == i1).astype(jnp.float32)
    oh1 = (io8 == i2).astype(jnp.float32)
    X = jnp.concatenate([oh0, oh1], axis=0)

    C = X
    sh = 1
    while sh < S * K:
        z = jnp.zeros((sh, E), jnp.float32)
        C = C + jnp.concatenate([z, C[: S * K - sh]], axis=0)
        sh *= 2

    counts = jnp.sum(X, axis=0, keepdims=True)
    offsets = _lane_cumsum_excl(counts, E)
    rank1 = jnp.sum(X * C, axis=-1, keepdims=True)
    offrow = jnp.sum(X * offsets, axis=-1, keepdims=True)
    pos_ref[...] = (offrow + rank1 - 1.0).astype(jnp.int32)

    start = offsets
    end = offsets + counts
    nonempty = counts > 0.0
    ft = jnp.floor(start / TT)
    lt = jnp.floor((end - 1.0) / TT)
    ntiles = jnp.where(nonempty, lt - ft + 1.0, 0.0)
    cum_excl = _lane_cumsum_excl(ntiles, E)
    cum_incl = cum_excl + ntiles
    total = jnp.sum(ntiles, axis=-1, keepdims=True)

    gio = lax.broadcasted_iota(jnp.int32, (G, 1), 0).astype(jnp.float32)
    e_of_g = jnp.sum((cum_incl <= gio).astype(jnp.float32), axis=-1, keepdims=True)
    valid = gio < total
    e_cl = jnp.minimum(e_of_g, float(E - 1))
    sel = (lax.broadcasted_iota(jnp.int32, (G, E), 1)
           == e_cl.astype(jnp.int32)).astype(jnp.float32)
    ft_g = jnp.sum(sel * ft, axis=-1, keepdims=True)
    ce_g = jnp.sum(sel * cum_excl, axis=-1, keepdims=True)
    st_g = jnp.sum(sel * start, axis=-1, keepdims=True)
    en_g = jnp.sum(sel * end, axis=-1, keepdims=True)
    tile_g = jnp.where(valid, ft_g + (gio - ce_g), float(NT - 1))
    lo_g = jnp.where(valid, jnp.clip(st_g - tile_g * TT, 0.0, float(TT)), 0.0)
    hi_g = jnp.where(valid, jnp.clip(en_g - tile_g * TT, 0.0, float(TT)), 0.0)
    zg = jnp.zeros((G, 1), jnp.float32)
    meta = jnp.concatenate(
        [tile_g, e_cl, lo_g, hi_g, zg, zg, zg, zg], axis=1)
    meta_ref[...] = meta.astype(jnp.int32)


def _route(h, gate_W, gate_b):
    return pl.pallas_call(
        _route_body,
        in_specs=[
            pl.BlockSpec((S, D), lambda: (0, 0)),
            pl.BlockSpec((D, E), lambda: (0, 0)),
            pl.BlockSpec((1, E), lambda: (0, 0)),
        ],
        out_specs=[
            pl.BlockSpec((S * K, 1), lambda: (0, 0)),
            pl.BlockSpec((G, 8), lambda: (0, 0)),
            pl.BlockSpec((S, 2), lambda: (0, 0)),
        ],
        out_shape=[
            jax.ShapeDtypeStruct((S * K, 1), jnp.int32),
            jax.ShapeDtypeStruct((G, 8), jnp.int32),
            jax.ShapeDtypeStruct((S, 2), jnp.float32),
        ],
    )(h, gate_W, gate_b.reshape(1, E))


PPW = (S * K) // NSC


def _dispatch_body(h_hbm, pos_hbm, out_hbm, tok_v, pos_v, rows_v, sem):
    wid = lax.axis_index("s") * 2 + lax.axis_index("c")
    base = wid * PPW
    pltpu.sync_copy(pos_hbm.at[pl.ds(base, PPW)], pos_v)
    for c in range(PPW // 16):
        idx = lax.iota(jnp.int32, 16) + (base + c * 16)
        tok_v[pl.ds(c * 16, 16)] = jnp.bitwise_and(idx, S - 1)
    pltpu.async_copy(h_hbm.at[tok_v], rows_v, sem).wait()
    pltpu.async_copy(rows_v, out_hbm.at[pos_v], sem).wait()


def _dispatch(h16, pos):
    h16i = lax.bitcast_convert_type(h16.reshape(S, D // 2, 2), jnp.int32)
    f = functools.partial(
        pl.kernel,
        out_type=jax.ShapeDtypeStruct((S * K, D // 2), jnp.int32),
        mesh=plsc.VectorSubcoreMesh(core_axis_name="c", subcore_axis_name="s"),
        scratch_types=[
            pltpu.VMEM((PPW,), jnp.int32),
            pltpu.VMEM((PPW,), jnp.int32),
            pltpu.VMEM((PPW, D // 2), jnp.int32),
            pltpu.SemaphoreType.DMA,
        ],
    )(_dispatch_body)
    out = f(h16i, pos)
    return lax.bitcast_convert_type(out, jnp.bfloat16).reshape(S * K, D)


SQRT_HALF = 1.0 / math.sqrt(2.0)


def _gmm_body(meta_ref, xg_ref, w1_ref, b1_ref, w2_ref, b2_ref, out_ref):
    g = pl.program_id(0)
    tile = meta_ref[g, 0]
    lo = meta_ref[g, 2]
    hi = meta_ref[g, 3]
    prev_tile = meta_ref[jnp.maximum(g - 1, 0), 0]

    @pl.when(jnp.logical_or(g == 0, prev_tile != tile))
    def _():
        out_ref[...] = jnp.zeros_like(out_ref)

    @pl.when(hi > lo)
    def _():
        xg = xg_ref[...]
        w1 = w1_ref[...].reshape(D, F)
        w2 = w2_ref[...].reshape(F, D)
        h1 = jnp.dot(xg, w1, preferred_element_type=jnp.float32) + b1_ref[...].reshape(1, F)
        h1 = h1 * 0.5 * (1.0 + lax.erf(h1 * SQRT_HALF))
        h2 = jnp.dot(h1, w2, preferred_element_type=jnp.float32) + b2_ref[...].reshape(1, D)
        rows = lax.broadcasted_iota(jnp.int32, (TT, 1), 0)
        mask = jnp.logical_and(rows >= lo, rows < hi)
        out_ref[...] += jnp.where(mask, h2, 0.0)


def _gmm(meta, gathered, W1, b1, W2, b2):
    return pl.pallas_call(
        _gmm_body,
        grid_spec=pltpu.PrefetchScalarGridSpec(
            num_scalar_prefetch=1,
            grid=(G,),
            in_specs=[
                pl.BlockSpec((TT, D), lambda g, m: (m[g, 0], 0)),
                pl.BlockSpec((1, D, F), lambda g, m: (m[g, 1], 0, 0)),
                pl.BlockSpec((1, 1, F), lambda g, m: (m[g, 1], 0, 0)),
                pl.BlockSpec((1, F, D), lambda g, m: (m[g, 1], 0, 0)),
                pl.BlockSpec((1, 1, D), lambda g, m: (m[g, 1], 0, 0)),
            ],
            out_specs=pl.BlockSpec((TT, D), lambda g, m: (m[g, 0], 0)),
        ),
        out_shape=jax.ShapeDtypeStruct((S * K, D), jnp.float32),
    )(meta, gathered, W1.astype(jnp.bfloat16), b1.reshape(E, 1, F),
      W2.astype(jnp.bfloat16), b2.reshape(E, 1, D))


TPW = S // NSC


def _combine_body(eo_hbm, pos_hbm, out0_hbm, out1_hbm, idx_v, rows_v, sem):
    wid = lax.axis_index("s") * 2 + lax.axis_index("c")
    base = wid * TPW
    pltpu.sync_copy(pos_hbm.at[pl.ds(base, TPW)], idx_v)
    pltpu.async_copy(eo_hbm.at[idx_v], rows_v, sem).wait()
    pltpu.sync_copy(rows_v, out0_hbm.at[pl.ds(base, TPW)])
    pltpu.sync_copy(pos_hbm.at[pl.ds(S + base, TPW)], idx_v)
    pltpu.async_copy(eo_hbm.at[idx_v], rows_v, sem).wait()
    pltpu.sync_copy(rows_v, out1_hbm.at[pl.ds(base, TPW)])


def _combine(eo, pos):
    f = functools.partial(
        pl.kernel,
        out_type=(jax.ShapeDtypeStruct((S, D), jnp.float32),
                  jax.ShapeDtypeStruct((S, D), jnp.float32)),
        mesh=plsc.VectorSubcoreMesh(core_axis_name="c", subcore_axis_name="s"),
        scratch_types=[
            pltpu.VMEM((TPW,), jnp.int32),
            pltpu.VMEM((TPW, D), jnp.float32),
            pltpu.SemaphoreType.DMA,
        ],
    )(_combine_body)
    return f(eo, pos)


def _ln2_body(h_ref, e0_ref, e1_ref, v_ref, w_ref, b_ref, out_ref):
    v = v_ref[...]
    moe = v[:, 0:1] * e0_ref[...] + v[:, 1:2] * e1_ref[...]
    mu = jnp.sum(moe, axis=-1, keepdims=True) * jnp.float32(1.0 / D)
    var = jnp.sum((moe - mu) ** 2, axis=-1, keepdims=True) * jnp.float32(1.0 / D)
    y = (moe - mu) / jnp.sqrt(var + 1e-5) * w_ref[...] + b_ref[...]
    out_ref[...] = h_ref[...] + y


def _ln2(h, eo0, eo1, vals, ln2_w, ln2_b):
    return pl.pallas_call(
        _ln2_body,
        grid=(NQB,),
        in_specs=[
            pl.BlockSpec((QB, D), lambda i: (i, 0)),
            pl.BlockSpec((QB, D), lambda i: (i, 0)),
            pl.BlockSpec((QB, D), lambda i: (i, 0)),
            pl.BlockSpec((QB, 2), lambda i: (i, 0)),
            pl.BlockSpec((1, D), lambda i: (0, 0)),
            pl.BlockSpec((1, D), lambda i: (0, 0)),
        ],
        out_specs=pl.BlockSpec((QB, D), lambda i: (i, 0)),
        out_shape=jax.ShapeDtypeStruct((S, D), jnp.float32),
    )(h, eo0, eo1, vals, ln2_w.reshape(1, D), ln2_b.reshape(1, D))


def kernel(x, Wq, bq, Wk, bk, Wv, bv, Wo, bo, ln1_w, ln1_b, ln2_w, ln2_b,
           gate_W, gate_b, W1, b1, W2, b2):
    x2 = x.reshape(S, D)
    q16, k16, v = _qkv_proj(x2, Wq, bq, Wk, bk, Wv, bv)
    o = _attention(q16, k16, v)
    h, h16 = _proj_ln1(o, Wo, bo, ln1_w, ln1_b, x2)
    pos4, meta, vals = _route(h, gate_W, gate_b)
    pos = pos4.reshape(S * K)
    gathered = _dispatch(h16, pos)
    eo = _gmm(meta, gathered, W1, b1, W2, b2)
    eo0, eo1 = _combine(eo, pos)
    out = _ln2(h, eo0, eo1, vals, ln2_w, ln2_b)
    return out.reshape(1, S, D)

# --- scband reference (transcript-rebuilt; emitter-appended) ---
"""Pipeline reference for scband-mo-etransformer-decoder-block-13262859010804 (READ-ONLY COPY).

The authoritative reference and input builder live on the scoring server;
editing this copy changes nothing except your own understanding.
"""

import jax, jax.numpy as jnp
import numpy as np

B, S, D, H, E, K, F = 1, 2048, 768, 12, 8, 2, 2048
DH = D // H


def _layer_norm(x, w, b):
    mu = jnp.mean(x, axis=-1, keepdims=True)
    var = jnp.mean((x - mu) ** 2, axis=-1, keepdims=True)
    return (x - mu) / jnp.sqrt(var + 1e-5) * w + b


def _forward(x, Wq, bq, Wk, bk, Wv, bv, Wo, bo, ln1_w, ln1_b, ln2_w, ln2_b, gate_W, gate_b, W1, b1, W2, b2):
    # injected attention: standard multi-head self-attention (mask=None)
    q = (x @ Wq + bq).reshape(B, S, H, DH).transpose(0, 2, 1, 3)
    k = (x @ Wk + bk).reshape(B, S, H, DH).transpose(0, 2, 1, 3)
    v = (x @ Wv + bv).reshape(B, S, H, DH).transpose(0, 2, 1, 3)
    scores = jnp.einsum('bhqd,bhkd->bhqk', q, k) / jnp.sqrt(jnp.float32(DH))
    attn = jax.nn.softmax(scores, axis=-1)
    o = jnp.einsum('bhqk,bhkd->bhqd', attn, v).transpose(0, 2, 1, 3).reshape(B, S, D)
    attn_out = o @ Wo + bo
    # x = x + norm1(attention(x))
    h = x + _layer_norm(attn_out, ln1_w, ln1_b)
    # MoE routing: gate -> softmax (gating_score_bias buffer is zeros at init) -> top-k
    gate_scores = h @ gate_W + gate_b
    gate_probs = jax.nn.softmax(gate_scores, axis=-1)
    top_vals, top_idx = jax.lax.top_k(gate_probs, K)
    onehot = jax.nn.one_hot(top_idx, E, dtype=h.dtype)  # [B,S,K,E]
    w_e = jnp.sum(onehot * top_vals[..., None], axis=-2).reshape(B * S, E)  # per-expert combine weight
    t = h.reshape(B * S, D)
    # experts: Linear(D,F) -> GELU(exact) -> Dropout(eval=identity) -> Linear(F,D), computed densely
    h1 = jax.nn.gelu(jnp.einsum('td,edf->etf', t, W1) + b1[:, None, :], approximate=False)
    h2 = jnp.einsum('etf,efd->etd', h1, W2) + b2[:, None, :]
    moe_out = jnp.einsum('etd,te->td', h2, w_e).reshape(B, S, D)
    # x = x + norm2(route_to_experts(x)); final dropout is identity in eval
    out = h + _layer_norm(moe_out, ln2_w, ln2_b)
    return out


def setup_inputs(seed: int = 0) -> dict:
    key = jax.random.key(seed)
    ks = jax.random.split(key, 16)
    s = 0.02
    return {
        'x': jax.random.normal(ks[0], (B, S, D), jnp.float32),
        'Wq': jax.random.normal(ks[1], (D, D), jnp.float32) * s,
        'bq': jnp.zeros((D,), jnp.float32),
        'Wk': jax.random.normal(ks[2], (D, D), jnp.float32) * s,
        'bk': jnp.zeros((D,), jnp.float32),
        'Wv': jax.random.normal(ks[3], (D, D), jnp.float32) * s,
        'bv': jnp.zeros((D,), jnp.float32),
        'Wo': jax.random.normal(ks[4], (D, D), jnp.float32) * s,
        'bo': jnp.zeros((D,), jnp.float32),
        'ln1_w': jnp.ones((D,), jnp.float32),
        'ln1_b': jnp.zeros((D,), jnp.float32),
        'ln2_w': jnp.ones((D,), jnp.float32),
        'ln2_b': jnp.zeros((D,), jnp.float32),
        'gate_W': jax.random.normal(ks[5], (D, E), jnp.float32) * s,
        'gate_b': jnp.zeros((E,), jnp.float32),
        'W1': jax.random.normal(ks[6], (E, D, F), jnp.float32) * s,
        'b1': jnp.zeros((E, F), jnp.float32),
        'W2': jax.random.normal(ks[7], (E, F, D), jnp.float32) * s,
        'b2': jnp.zeros((E, D), jnp.float32),
    }


def reference(x, Wq, bq, Wk, bk, Wv, bv, Wo, bo, ln1_w, ln1_b, ln2_w, ln2_b, gate_W, gate_b, W1, b1, W2, b2):
    return _forward(x, Wq, bq, Wk, bk, Wv, bv, Wo, bo, ln1_w, ln1_b, ln2_w, ln2_b, gate_W, gate_b, W1, b1, W2, b2)

if __name__ == "__main__":
    import jax
    _d = setup_inputs()
    print(jax.jit(kernel)(*tuple(_d.values())))

</pallas_src>

<mosaic_0001>
#map = affine_map<(d0, d1) -> (0, 0)>
#map1 = affine_map<(d0, d1) -> (0)>
module attributes {stable_mosaic.version = 14 : i64} {
  func.func @_combine_body(%arg0: i32, %arg1: i32, %arg2: memref<4096x768xf32, #tpu.memory_space<hbm>>, %arg3: memref<4096xi32, #tpu.memory_space<hbm>>, %arg4: memref<2048x768xf32, #tpu.memory_space<hbm>>, %arg5: memref<2048x768xf32, #tpu.memory_space<hbm>>, %arg6: memref<64xi32, #tpu.memory_space<vmem>>, %arg7: memref<64x768xf32, #tpu.memory_space<vmem>>, %arg8: memref<!tpu.dma_semaphore, #tpu.memory_space<semaphore_mem>>) attributes {dimension_semantics = [#tpu.dimension_semantics<core_parallel>, #tpu.dimension_semantics<subcore_parallel>], iteration_bounds = array<i64: 2, 16>, scalar_prefetch = 0 : i64, scratch_operands = 3 : i64, tpu.core_type = #tpu.core_type<sc_vector_subcore>, window_params = [{transform_indices = #map}, {transform_indices = #map1}, {transform_indices = #map}, {transform_indices = #map}]} {
    %mul3A = arith.constant 2 : i32
    %mul3A_0 = arith.muli %arg1, %mul3A : i32
    %add3A = arith.addi %mul3A_0, %arg0 : i32
    %mul3A_1 = arith.constant 64 : i32
    %mul3A_2 = arith.muli %add3A, %mul3A_1 : i32
    "tpu.region"() ({
      %run_scoped3A = tpu.sem_alloc : memref<!tpu.dma_semaphore, #tpu.memory_space<semaphore_mem>>
      %dma_start3A_15 = tpu.memref_slice %arg3[%mul3A_2] : memref<4096xi32, #tpu.memory_space<hbm>> -> memref<64xi32, #tpu.memory_space<hbm>>
      %dma_start3A_16 = tpu.memref_slice %arg3[%mul3A_2] : memref<4096xi32, #tpu.memory_space<hbm>> -> memref<64xi32, #tpu.memory_space<hbm>>
      tpu.enqueue_dma source(%dma_start3A_16 : memref<64xi32, #tpu.memory_space<hbm>>) target(%arg6 : memref<64xi32, #tpu.memory_space<vmem>>) target_semaphore(%run_scoped3A : memref<!tpu.dma_semaphore, #tpu.memory_space<semaphore_mem>>)
      %dma_wait3A_17 = tpu.memref_slice %arg3[%mul3A_2] : memref<4096xi32, #tpu.memory_space<hbm>> -> memref<64xi32, #tpu.memory_space<hbm>>
      %dma_wait3A_18 = tpu.memref_slice %arg3[%mul3A_2] : memref<4096xi32, #tpu.memory_space<hbm>> -> memref<64xi32, #tpu.memory_space<hbm>>
      tpu.wait_dma2 semaphore(%run_scoped3A : memref<!tpu.dma_semaphore, #tpu.memory_space<semaphore_mem>>) src(%dma_wait3A_18 : memref<64xi32, #tpu.memory_space<hbm>>) dst(%arg6 : memref<64xi32, #tpu.memory_space<vmem>>)
      tpu.yield
    }) : () -> ()
    %dma_start3A = arith.constant 0 : i32
    %dma_start3A_3 = arith.constant 0 : i32
    %dma_start3A_4 = tpu.memref_slice %arg2[%dma_start3A, %dma_start3A_3] : memref<4096x768xf32, #tpu.memory_space<hbm>> -> memref<4096x768xf32, #tpu.memory_space<hbm>>
    tpu.enqueue_indirect_dma source(%dma_start3A_4 : memref<4096x768xf32, #tpu.memory_space<hbm>>) target(%arg7 : memref<64x768xf32, #tpu.memory_space<vmem>>) offsets(%arg6 : memref<64xi32, #tpu.memory_space<vmem>>) semaphore(%arg8 : memref<!tpu.dma_semaphore, #tpu.memory_space<semaphore_mem>>)
    %dma_wait3A = arith.constant 0 : i32
    %dma_wait3A_5 = arith.constant 0 : i32
    %dma_wait3A_6 = tpu.memref_slice %arg2[%dma_wait3A, %dma_wait3A_5] : memref<4096x768xf32, #tpu.memory_space<hbm>> -> memref<4096x768xf32, #tpu.memory_space<hbm>>
    tpu.wait_indirect_dma semaphore(%arg8 : memref<!tpu.dma_semaphore, #tpu.memory_space<semaphore_mem>>) src(%dma_wait3A_6 : memref<4096x768xf32, #tpu.memory_space<hbm>>) dst(%arg7 : memref<64x768xf32, #tpu.memory_space<vmem>>)
    "tpu.region"() ({
      %run_scoped3A = tpu.sem_alloc : memref<!tpu.dma_semaphore, #tpu.memory_space<semaphore_mem>>
      %dma_start3A_15 = arith.constant 0 : i32
      %dma_start3A_16 = tpu.memref_slice %arg4[%mul3A_2, %dma_start3A_15] : memref<2048x768xf32, #tpu.memory_space<hbm>> -> memref<64x768xf32, #tpu.memory_space<hbm>>
      %dma_start3A_17 = arith.constant 0 : i32
      %dma_start3A_18 = tpu.memref_slice %arg4[%mul3A_2, %dma_start3A_17] : memref<2048x768xf32, #tpu.memory_space<hbm>> -> memref<64x768xf32, #tpu.memory_space<hbm>>
      tpu.enqueue_dma source(%arg7 : memref<64x768xf32, #tpu.memory_space<vmem>>) target(%dma_start3A_18 : memref<64x768xf32, #tpu.memory_space<hbm>>) target_semaphore(%run_scoped3A : memref<!tpu.dma_semaphore, #tpu.memory_space<semaphore_mem>>)
      %dma_wait3A_19 = arith.constant 0 : i32
      %dma_wait3A_20 = tpu.memref_slice %arg4[%mul3A_2, %dma_wait3A_19] : memref<2048x768xf32, #tpu.memory_space<hbm>> -> memref<64x768xf32, #tpu.memory_space<hbm>>
      %dma_wait3A_21 = arith.constant 0 : i32
      %dma_wait3A_22 = tpu.memref_slice %arg4[%mul3A_2, %dma_wait3A_21] : memref<2048x768xf32, #tpu.memory_space<hbm>> -> memref<64x768xf32, #tpu.memory_space<hbm>>
      tpu.wait_dma2 semaphore(%run_scoped3A : memref<!tpu.dma_semaphore, #tpu.memory_space<semaphore_mem>>) src(%arg7 : memref<64x768xf32, #tpu.memory_space<vmem>>) dst(%dma_wait3A_22 : memref<64x768xf32, #tpu.memory_space<hbm>>)
      tpu.yield
    }) : () -> ()
    %add3A_7 = arith.constant 2048 : i32
    %add3A_8 = arith.addi %add3A_7, %mul3A_2 : i32
    "tpu.region"() ({
      %run_scoped3A = tpu.sem_alloc : memref<!tpu.dma_semaphore, #tpu.memory_space<semaphore_mem>>
      %dma_start3A_15 = tpu.memref_slice %arg3[%add3A_8] : memref<4096xi32, #tpu.memory_space<hbm>> -> memref<64xi32, #tpu.memory_space<hbm>>
      %dma_start3A_16 = tpu.memref_slice %arg3[%add3A_8] : memref<4096xi32, #tpu.memory_space<hbm>> -> memref<64xi32, #tpu.memory_space<hbm>>
      tpu.enqueue_dma source(%dma_start3A_16 : memref<64xi32, #tpu.memory_space<hbm>>) target(%arg6 : memref<64xi32, #tpu.memory_space<vmem>>) target_semaphore(%run_scoped3A : memref<!tpu.dma_semaphore, #tpu.memory_space<semaphore_mem>>)
      %dma_wait3A_17 = tpu.memref_slice %arg3[%add3A_8] : memref<4096xi32, #tpu.memory_space<hbm>> -> memref<64xi32, #tpu.memory_space<hbm>>
      %dma_wait3A_18 = tpu.memref_slice %arg3[%add3A_8] : memref<4096xi32, #tpu.memory_space<hbm>> -> memref<64xi32, #tpu.memory_space<hbm>>
      tpu.wait_dma2 semaphore(%run_scoped3A : memref<!tpu.dma_semaphore, #tpu.memory_space<semaphore_mem>>) src(%dma_wait3A_18 : memref<64xi32, #tpu.memory_space<hbm>>) dst(%arg6 : memref<64xi32, #tpu.memory_space<vmem>>)
      tpu.yield
    }) : () -> ()
    %dma_start3A_9 = arith.constant 0 : i32
    %dma_start3A_10 = arith.constant 0 : i32
    %dma_start3A_11 = tpu.memref_slice %arg2[%dma_start3A_9, %dma_start3A_10] : memref<4096x768xf32, #tpu.memory_space<hbm>> -> memref<4096x768xf32, #tpu.memory_space<hbm>>
    tpu.enqueue_indirect_dma source(%dma_start3A_11 : memref<4096x768xf32, #tpu.memory_space<hbm>>) target(%arg7 : memref<64x768xf32, #tpu.memory_space<vmem>>) offsets(%arg6 : memref<64xi32, #tpu.memory_space<vmem>>) semaphore(%arg8 : memref<!tpu.dma_semaphore, #tpu.memory_space<semaphore_mem>>)
    %dma_wait3A_12 = arith.constant 0 : i32
    %dma_wait3A_13 = arith.constant 0 : i32
    %dma_wait3A_14 = tpu.memref_slice %arg2[%dma_wait3A_12, %dma_wait3A_13] : memref<4096x768xf32, #tpu.memory_space<hbm>> -> memref<4096x768xf32, #tpu.memory_space<hbm>>
    tpu.wait_indirect_dma semaphore(%arg8 : memref<!tpu.dma_semaphore, #tpu.memory_space<semaphore_mem>>) src(%dma_wait3A_14 : memref<4096x768xf32, #tpu.memory_space<hbm>>) dst(%arg7 : memref<64x768xf32, #tpu.memory_space<vmem>>)
    "tpu.region"() ({
      %run_scoped3A = tpu.sem_alloc : memref<!tpu.dma_semaphore, #tpu.memory_space<semaphore_mem>>
      %dma_start3A_15 = arith.constant 0 : i32
      %dma_start3A_16 = tpu.memref_slice %arg5[%mul3A_2, %dma_start3A_15] : memref<2048x768xf32, #tpu.memory_space<hbm>> -> memref<64x768xf32, #tpu.memory_space<hbm>>
      %dma_start3A_17 = arith.constant 0 : i32
      %dma_start3A_18 = tpu.memref_slice %arg5[%mul3A_2, %dma_start3A_17] : memref<2048x768xf32, #tpu.memory_space<hbm>> -> memref<64x768xf32, #tpu.memory_space<hbm>>
      tpu.enqueue_dma source(%arg7 : memref<64x768xf32, #tpu.memory_space<vmem>>) target(%dma_start3A_18 : memref<64x768xf32, #tpu.memory_space<hbm>>) target_semaphore(%run_scoped3A : memref<!tpu.dma_semaphore, #tpu.memory_space<semaphore_mem>>)
      %dma_wait3A_19 = arith.constant 0 : i32
      %dma_wait3A_20 = tpu.memref_slice %arg5[%mul3A_2, %dma_wait3A_19] : memref<2048x768xf32, #tpu.memory_space<hbm>> -> memref<64x768xf32, #tpu.memory_space<hbm>>
      %dma_wait3A_21 = arith.constant 0 : i32
      %dma_wait3A_22 = tpu.memref_slice %arg5[%mul3A_2, %dma_wait3A_21] : memref<2048x768xf32, #tpu.memory_space<hbm>> -> memref<64x768xf32, #tpu.memory_space<hbm>>
      tpu.wait_dma2 semaphore(%run_scoped3A : memref<!tpu.dma_semaphore, #tpu.memory_space<semaphore_mem>>) src(%arg7 : memref<64x768xf32, #tpu.memory_space<vmem>>) dst(%dma_wait3A_22 : memref<64x768xf32, #tpu.memory_space<hbm>>)
      tpu.yield
    }) : () -> ()
    return
  }
}

#map = affine_map<(d0, d1) -> (0, 0)>
#map1 = affine_map<(d0, d1) -> (0)>
module attributes {stable_mosaic.version = 14 : i64} {
  func.func @_dispatch_body(%arg0: i32, %arg1: i32, %arg2: memref<2048x384xi32, #tpu.memory_space<hbm>>, %arg3: memref<4096xi32, #tpu.memory_space<hbm>>, %arg4: memref<4096x384xi32, #tpu.memory_space<hbm>>, %arg5: memref<128xi32, #tpu.memory_space<vmem>>, %arg6: memref<128xi32, #tpu.memory_space<vmem>>, %arg7: memref<128x384xi32, #tpu.memory_space<vmem>>, %arg8: memref<!tpu.dma_semaphore, #tpu.memory_space<semaphore_mem>>) attributes {dimension_semantics = [#tpu.dimension_semantics<core_parallel>, #tpu.dimension_semantics<subcore_parallel>], iteration_bounds = array<i64: 2, 16>, scalar_prefetch = 0 : i64, scratch_operands = 4 : i64, tpu.core_type = #tpu.core_type<sc_vector_subcore>, window_params = [{transform_indices = #map}, {transform_indices = #map1}, {transform_indices = #map}]} {
    %mul3A = arith.constant 2 : i32
    %mul3A_0 = arith.muli %arg1, %mul3A : i32
    %add3A = arith.addi %mul3A_0, %arg0 : i32
    %mul3A_1 = arith.constant 128 : i32
    %mul3A_2 = arith.muli %add3A, %mul3A_1 : i32
    "tpu.region"() ({
      %run_scoped3A = tpu.sem_alloc : memref<!tpu.dma_semaphore, #tpu.memory_space<semaphore_mem>>
      %dma_start3A_106 = tpu.memref_slice %arg3[%mul3A_2] : memref<4096xi32, #tpu.memory_space<hbm>> -> memref<128xi32, #tpu.memory_space<hbm>>
      %dma_start3A_107 = tpu.memref_slice %arg3[%mul3A_2] : memref<4096xi32, #tpu.memory_space<hbm>> -> memref<128xi32, #tpu.memory_space<hbm>>
      tpu.enqueue_dma source(%dma_start3A_107 : memref<128xi32, #tpu.memory_space<hbm>>) target(%arg6 : memref<128xi32, #tpu.memory_space<vmem>>) target_semaphore(%run_scoped3A : memref<!tpu.dma_semaphore, #tpu.memory_space<semaphore_mem>>)
      %dma_wait3A_108 = tpu.memref_slice %arg3[%mul3A_2] : memref<4096xi32, #tpu.memory_space<hbm>> -> memref<128xi32, #tpu.memory_space<hbm>>
      %dma_wait3A_109 = tpu.memref_slice %arg3[%mul3A_2] : memref<4096xi32, #tpu.memory_space<hbm>> -> memref<128xi32, #tpu.memory_space<hbm>>
      tpu.wait_dma2 semaphore(%run_scoped3A : memref<!tpu.dma_semaphore, #tpu.memory_space<semaphore_mem>>) src(%dma_wait3A_109 : memref<128xi32, #tpu.memory_space<hbm>>) dst(%arg6 : memref<128xi32, #tpu.memory_space<vmem>>)
      tpu.yield
    }) : () -> ()
    %iota3A = tpu.iota {dimensions = array<i32: 0>} : vector<16xi32>
    %add3A_3 = arith.constant 0 : i32
    %add3A_4 = arith.addi %mul3A_2, %add3A_3 : i32
    %add3A_5 = vector.broadcast %add3A_4 : i32 to vector<16xi32>
    %add3A_6 = arith.addi %iota3A, %add3A_5 : vector<16xi32>
    %and3A = arith.constant 2047 : i32
    %and3A_7 = vector.broadcast %and3A : i32 to vector<16xi32>
    %and3A_8 = arith.andi %add3A_6, %and3A_7 : vector<16xi32>
    %swap3A = arith.constant 0 : index
    %swap3A_9 = tpu.vector_load %arg5[%swap3A] {strides = array<i32>} : memref<128xi32, #tpu.memory_space<vmem>>, vector<16xi32>,
    %swap3A_10 = vector.shape_cast %swap3A_9 : vector<16xi32> to vector<16xi32>
    %swap3A_11 = vector.shape_cast %and3A_8 : vector<16xi32> to vector<16xi32>
    tpu.vector_store %arg5[%swap3A], %swap3A_11 {strides = array<i32>} : memref<128xi32, #tpu.memory_space<vmem>>, vector<16xi32>,
    %iota3A_12 = tpu.iota {dimensions = array<i32: 0>} : vector<16xi32>
    %add3A_13 = arith.constant 16 : i32
    %add3A_14 = arith.addi %mul3A_2, %add3A_13 : i32
    %add3A_15 = vector.broadcast %add3A_14 : i32 to vector<16xi32>
    %add3A_16 = arith.addi %iota3A_12, %add3A_15 : vector<16xi32>
    %and3A_17 = arith.constant 2047 : i32
    %and3A_18 = vector.broadcast %and3A_17 : i32 to vector<16xi32>
    %and3A_19 = arith.andi %add3A_16, %and3A_18 : vector<16xi32>
    %swap3A_20 = arith.constant 16 : index
    %swap3A_21 = tpu.vector_load %arg5[%swap3A_20] {strides = array<i32>} : memref<128xi32, #tpu.memory_space<vmem>>, vector<16xi32>,
    %swap3A_22 = vector.shape_cast %swap3A_21 : vector<16xi32> to vector<16xi32>
    %swap3A_23 = vector.shape_cast %and3A_19 : vector<16xi32> to vector<16xi32>
    tpu.vector_store %arg5[%swap3A_20], %swap3A_23 {strides = array<i32>} : memref<128xi32, #tpu.memory_space<vmem>>, vector<16xi32>,
    %iota3A_24 = tpu.iota {dimensions = array<i32: 0>} : vector<16xi32>
    %add3A_25 = arith.constant 32 : i32
    %add3A_26 = arith.addi %mul3A_2, %add3A_25 : i32
    %add3A_27 = vector.broadcast %add3A_26 : i32 to vector<16xi32>
    %add3A_28 = arith.addi %iota3A_24, %add3A_27 : vector<16xi32>
    %and3A_29 = arith.constant 2047 : i32
    %and3A_30 = vector.broadcast %and3A_29 : i32 to vector<16xi32>
    %and3A_31 = arith.andi %add3A_28, %and3A_30 : vector<16xi32>
    %swap3A_32 = arith.constant 32 : index
    %swap3A_33 = tpu.vector_load %arg5[%swap3A_32] {strides = array<i32>} : memref<128xi32, #tpu.memory_space<vmem>>, vector<16xi32>,
    %swap3A_34 = vector.shape_cast %swap3A_33 : vector<16xi32> to vector<16xi32>
    %swap3A_35 = vector.shape_cast %and3A_31 : vector<16xi32> to vector<16xi32>
    tpu.vector_store %arg5[%swap3A_32], %swap3A_35 {strides = array<i32>} : memref<128xi32, #tpu.memory_space<vmem>>, vector<16xi32>,
    %iota3A_36 = tpu.iota {dimensions = array<i32: 0>} : vector<16xi32>
    %add3A_37 = arith.constant 48 : i32
    %add3A_38 = arith.addi %mul3A_2, %add3A_37 : i32
    %add3A_39 = vector.broadcast %add3A_38 : i32 to vector<16xi32>
    %add3A_40 = arith.addi %iota3A_36, %add3A_39 : vector<16xi32>
    %and3A_41 = arith.constant 2047 : i32
    %and3A_42 = vector.broadcast %and3A_41 : i32 to vector<16xi32>
    %and3A_43 = arith.andi %add3A_40, %and3A_42 : vector<16xi32>
    %swap3A_44 = arith.constant 48 : index
    %swap3A_45 = tpu.vector_load %arg5[%swap3A_44] {strides = array<i32>} : memref<128xi32, #tpu.memory_space<vmem>>, vector<16xi32>,
    %swap3A_46 = vector.shape_cast %swap3A_45 : vector<16xi32> to vector<16xi32>
    %swap3A_47 = vector.shape_cast %and3A_43 : vector<16xi32> to vector<16xi32>
    tpu.vector_store %arg5[%swap3A_44], %swap3A_47 {strides = array<i32>} : memref<128xi32, #tpu.memory_space<vmem>>, vector<16xi32>,
    %iota3A_48 = tpu.iota {dimensions = array<i32: 0>} : vector<16xi32>
    %add3A_49 = arith.constant 64 : i32
    %add3A_50 = arith.addi %mul3A_2, %add3A_49 : i32
    %add3A_51 = vector.broadcast %add3A_50 : i32 to vector<16xi32>
    %add3A_52 = arith.addi %iota3A_48, %add3A_51 : vector<16xi32>
    %and3A_53 = arith.constant 2047 : i32
    %and3A_54 = vector.broadcast %and3A_53 : i32 to vector<16xi32>
    %and3A_55 = arith.andi %add3A_52, %and3A_54 : vector<16xi32>
    %swap3A_56 = arith.constant 64 : index
    %swap3A_57 = tpu.vector_load %arg5[%swap3A_56] {strides = array<i32>} : memref<128xi32, #tpu.memory_space<vmem>>, vector<16xi32>,
    %swap3A_58 = vector.shape_cast %swap3A_57 : vector<16xi32> to vector<16xi32>
    %swap3A_59 = vector.shape_cast %and3A_55 : vector<16xi32> to vector<16xi32>
    tpu.vector_store %arg5[%swap3A_56], %swap3A_59 {strides = array<i32>} : memref<128xi32, #tpu.memory_space<vmem>>, vector<16xi32>,
    %iota3A_60 = tpu.iota {dimensions = array<i32: 0>} : vector<16xi32>
    %add3A_61 = arith.constant 80 : i32
    %add3A_62 = arith.addi %mul3A_2, %add3A_61 : i32
    %add3A_63 = vector.broadcast %add3A_62 : i32 to vector<16xi32>
    %add3A_64 = arith.addi %iota3A_60, %add3A_63 : vector<16xi32>
    %and3A_65 = arith.constant 2047 : i32
    %and3A_66 = vector.broadcast %and3A_65 : i32 to vector<16xi32>
    %and3A_67 = arith.andi %add3A_64, %and3A_66 : vector<16xi32>
    %swap3A_68 = arith.constant 80 : index
    %swap3A_69 = tpu.vector_load %arg5[%swap3A_68] {strides = array<i32>} : memref<128xi32, #tpu.memory_space<vmem>>, vector<16xi32>,
    %swap3A_70 = vector.shape_cast %swap3A_69 : vector<16xi32> to vector<16xi32>
    %swap3A_71 = vector.shape_cast %and3A_67 : vector<16xi32> to vector<16xi32>
    tpu.vector_store %arg5[%swap3A_68], %swap3A_71 {strides = array<i32>} : memref<128xi32, #tpu.memory_space<vmem>>, vector<16xi32>,
    %iota3A_72 = tpu.iota {dimensions = array<i32: 0>} : vector<16xi32>
    %add3A_73 = arith.constant 96 : i32
    %add3A_74 = arith.addi %mul3A_2, %add3A_73 : i32
    %add3A_75 = vector.broadcast %add3A_74 : i32 to vector<16xi32>
    %add3A_76 = arith.addi %iota3A_72, %add3A_75 : vector<16xi32>
    %and3A_77 = arith.constant 2047 : i32
    %and3A_78 = vector.broadcast %and3A_77 : i32 to vector<16xi32>
    %and3A_79 = arith.andi %add3A_76, %and3A_78 : vector<16xi32>
    %swap3A_80 = arith.constant 96 : index
    %swap3A_81 = tpu.vector_load %arg5[%swap3A_80] {strides = array<i32>} : memref<128xi32, #tpu.memory_space<vmem>>, vector<16xi32>,
    %swap3A_82 = vector.shape_cast %swap3A_81 : vector<16xi32> to vector<16xi32>
    %swap3A_83 = vector.shape_cast %and3A_79 : vector<16xi32> to vector<16xi32>
    tpu.vector_store %arg5[%swap3A_80], %swap3A_83 {strides = array<i32>} : memref<128xi32, #tpu.memory_space<vmem>>, vector<16xi32>,
    %iota3A_84 = tpu.iota {dimensions = array<i32: 0>} : vector<16xi32>
    %add3A_85 = arith.constant 112 : i32
    %add3A_86 = arith.addi %mul3A_2, %add3A_85 : i32
    %add3A_87 = vector.broadcast %add3A_86 : i32 to vector<16xi32>
    %add3A_88 = arith.addi %iota3A_84, %add3A_87 : vector<16xi32>
    %and3A_89 = arith.constant 2047 : i32
    %and3A_90 = vector.broadcast %and3A_89 : i32 to vector<16xi32>
    %and3A_91 = arith.andi %add3A_88, %and3A_90 : vector<16xi32>
    %swap3A_92 = arith.constant 112 : index
    %swap3A_93 = tpu.vector_load %arg5[%swap3A_92] {strides = array<i32>} : memref<128xi32, #tpu.memory_space<vmem>>, vector<16xi32>,
    %swap3A_94 = vector.shape_cast %swap3A_93 : vector<16xi32> to vector<16xi32>
    %swap3A_95 = vector.shape_cast %and3A_91 : vector<16xi32> to vector<16xi32>
    tpu.vector_store %arg5[%swap3A_92], %swap3A_95 {strides = array<i32>} : memref<128xi32, #tpu.memory_space<vmem>>, vector<16xi32>,
    %dma_start3A = arith.constant 0 : i32
    %dma_start3A_96 = arith.constant 0 : i32
    %dma_start3A_97 = tpu.memref_slice %arg2[%dma_start3A, %dma_start3A_96] : memref<2048x384xi32, #tpu.memory_space<hbm>> -> memref<2048x384xi32, #tpu.memory_space<hbm>>
    tpu.enqueue_indirect_dma source(%dma_start3A_97 : memref<2048x384xi32, #tpu.memory_space<hbm>>) target(%arg7 : memref<128x384xi32, #tpu.memory_space<vmem>>) offsets(%arg5 : memref<128xi32, #tpu.memory_space<vmem>>) semaphore(%arg8 : memref<!tpu.dma_semaphore, #tpu.memory_space<semaphore_mem>>)
    %dma_wait3A = arith.constant 0 : i32
    %dma_wait3A_98 = arith.constant 0 : i32
    %dma_wait3A_99 = tpu.memref_slice %arg2[%dma_wait3A, %dma_wait3A_98] : memref<2048x384xi32, #tpu.memory_space<hbm>> -> memref<2048x384xi32, #tpu.memory_space<hbm>>
    tpu.wait_indirect_dma semaphore(%arg8 : memref<!tpu.dma_semaphore, #tpu.memory_space<semaphore_mem>>) src(%dma_wait3A_99 : memref<2048x384xi32, #tpu.memory_space<hbm>>) dst(%arg7 : memref<128x384xi32, #tpu.memory_space<vmem>>)
    %dma_start3A_100 = arith.constant 0 : i32
    %dma_start3A_101 = arith.constant 0 : i32
    %dma_start3A_102 = tpu.memref_slice %arg4[%dma_start3A_100, %dma_start3A_101] : memref<4096x384xi32, #tpu.memory_space<hbm>> -> memref<4096x384xi32, #tpu.memory_space<hbm>>
    tpu.enqueue_indirect_dma source(%arg7 : memref<128x384xi32, #tpu.memory_space<vmem>>) target(%dma_start3A_102 : memref<4096x384xi32, #tpu.memory_space<hbm>>) offsets(%arg6 : memref<128xi32, #tpu.memory_space<vmem>>) semaphore(%arg8 : memref<!tpu.dma_semaphore, #tpu.memory_space<semaphore_mem>>)
    %dma_wait3A_103 = arith.constant 0 : i32
    %dma_wait3A_104 = arith.constant 0 : i32
    %dma_wait3A_105 = tpu.memref_slice %arg4[%dma_wait3A_103, %dma_wait3A_104] : memref<4096x384xi32, #tpu.memory_space<hbm>> -> memref<4096x384xi32, #tpu.memory_space<hbm>>
    tpu.wait_indirect_dma semaphore(%arg8 : memref<!tpu.dma_semaphore, #tpu.memory_space<semaphore_mem>>) src(%arg7 : memref<128x384xi32, #tpu.memory_space<vmem>>) dst(%dma_wait3A_105 : memref<4096x384xi32, #tpu.memory_space<hbm>>)
    return
  }
}

module attributes {stable_mosaic.version = 14 : i64} {
  func.func @_attn_body(%arg0: i32, %arg1: i32, %arg2: memref<1024x128xbf16, #tpu.memory_space<vmem>>, %arg3: memref<2048x128xbf16, #tpu.memory_space<vmem>>, %arg4: memref<2048x128xf32, #tpu.memory_space<vmem>>, %arg5: memref<1024x128xbf16, #tpu.memory_space<vmem>>) attributes {dimension_semantics = [#tpu.dimension_semantics<arbitrary>, #tpu.dimension_semantics<arbitrary>], iteration_bounds = array<i64: 6, 2>, scalar_prefetch = 0 : i64, scratch_operands = 0 : i64, tpu.core_type = #tpu.core_type<tc>, window_params = [{transform_indices = @transform_0, window_bounds = array<i64: 1024, 128>}, {transform_indices = @transform_1, window_bounds = array<i64: 2048, 128>}, {transform_indices = @transform_2, window_bounds = array<i64: 2048, 128>}, {transform_indices = @transform_3, window_bounds = array<i64: 1024, 128>}]} {
    %get3A = arith.constant 0 : index
    %get3A_0 = arith.constant 0 : index
    %get3A_1 = vector.load %arg2[%get3A, %get3A_0] : memref<1024x128xbf16, #tpu.memory_space<vmem>>, vector<1024x128xbf16>
    %slice3A = vector.extract_strided_slice %get3A_1 {offsets = [0, 0], sizes = [1024, 64], strides = [1, 1]} : vector<1024x128xbf16> to vector<1024x64xbf16>
    %get3A_2 = arith.constant 0 : index
    %get3A_3 = arith.constant 0 : index
    %get3A_4 = vector.load %arg3[%get3A_2, %get3A_3] : memref<2048x128xbf16, #tpu.memory_space<vmem>>, vector<2048x64xbf16>
    %dot_general3A = arith.constant dense<0.000000e+00> : vector<1024x2048xf32>
    %dot_general3A_5 = tpu.matmul %slice3A, %get3A_4, %dot_general3A {dimension_numbers = #tpu.dot_dimension_numbers<[1], [1], [0], [0], [0, 0, 1, 0], [], []>, transpose_lhs_hint = false} : vector<1024x64xbf16>, vector<2048x64xbf16>, vector<1024x2048xf32> -> vector<1024x2048xf32>
    %mul3A = arith.constant 1.250000e-01 : f32
    %mul3A_6 = vector.broadcast %mul3A : f32 to vector<1024x2048xf32>
    %mul3A_7 = arith.mulf %dot_general3A_5, %mul3A_6 : vector<1024x2048xf32>
    %slice3A_8 = vector.extract_strided_slice %mul3A_7 {offsets = [0, 0], sizes = [1024, 1024], strides = [1, 1]} : vector<1024x2048xf32> to vector<1024x1024xf32>
    %reduce_max3A = arith.constant dense<0xFF800000> : vector<1024xf32>
    %reduce_max3A_9 = vector.multi_reduction <maximumf>, %slice3A_8, %reduce_max3A [1] : vector<1024x1024xf32> to vector<1024xf32>
    %broadcast_in_dim3A = vector.shape_cast %reduce_max3A_9 : vector<1024xf32> to vector<1024x1xf32>
    %sub3A = vector.broadcast %broadcast_in_dim3A : vector<1024x1xf32> to vector<1024x1024xf32>
    %sub3A_10 = arith.subf %slice3A_8, %sub3A : vector<1024x1024xf32>
    %exp3A = math.exp %sub3A_10 : vector<1024x1024xf32>
    %reduce_sum3A = arith.constant dense<0.000000e+00> : vector<1024xf32>
    %reduce_sum3A_11 = vector.multi_reduction <add>, %exp3A, %reduce_sum3A [1] : vector<1024x1024xf32> to vector<1024xf32>
    %broadcast_in_dim3A_12 = vector.shape_cast %reduce_sum3A_11 : vector<1024xf32> to vector<1024x1xf32>
    %get3A_13 = arith.constant 0 : index
    %get3A_14 = arith.constant 0 : index
    %get3A_15 = vector.load %arg4[%get3A_13, %get3A_14] : memref<2048x128xf32, #tpu.memory_space<vmem>>, vector<1024x64xf32>
    %dot_general3A_16 = arith.constant dense<0.000000e+00> : vector<1024x64xf32>
    %dot_general3A_17 = tpu.matmul %exp3A, %get3A_15, %dot_general3A_16 {dimension_numbers = #tpu.dot_dimension_numbers<[1], [0], [0], [1], [0, 0, 1, 1], [], []>, transpose_lhs_hint = false} : vector<1024x1024xf32>, vector<1024x64xf32>, vector<1024x64xf32> -> vector<1024x64xf32>
    %slice3A_18 = vector.extract_strided_slice %mul3A_7 {offsets = [0, 1024], sizes = [1024, 1024], strides = [1, 1]} : vector<1024x2048xf32> to vector<1024x1024xf32>
    %reduce_max3A_19 = arith.constant dense<0xFF800000> : vector<1024xf32>
    %reduce_max3A_20 = vector.multi_reduction <maximumf>, %slice3A_18, %reduce_max3A_19 [1] : vector<1024x1024xf32> to vector<1024xf32>
    %broadcast_in_dim3A_21 = vector.shape_cast %reduce_max3A_20 : vector<1024xf32> to vector<1024x1xf32>
    %max3A = arith.maximumf %broadcast_in_dim3A, %broadcast_in_dim3A_21 : vector<1024x1xf32>
    %eq3A = arith.cmpf oeq, %broadcast_in_dim3A, %max3A : vector<1024x1xf32>
    %sub3A_22 = arith.subf %broadcast_in_dim3A, %max3A : vector<1024x1xf32>
    %jit3A = arith.constant 0.000000e+00 : f32
    %broadcast_in_dim3A_23 = vector.broadcast %jit3A : f32 to vector<1024x1xf32>
    %select_n3A = arith.select %eq3A, %broadcast_in_dim3A_23, %sub3A_22 : vector<1024x1xi1>, vector<1024x1xf32>
    %exp3A_24 = math.exp %select_n3A : vector<1024x1xf32>
    %sub3A_25 = vector.broadcast %max3A : vector<1024x1xf32> to vector<1024x1024xf32>
    %sub3A_26 = arith.subf %slice3A_18, %sub3A_25 : vector<1024x1024xf32>
    %exp3A_27 = math.exp %sub3A_26 : vector<1024x1024xf32>
    %mul3A_28 = arith.mulf %exp3A_24, %broadcast_in_dim3A_12 : vector<1024x1xf32>
    %reduce_sum3A_29 = arith.constant dense<0.000000e+00> : vector<1024xf32>
    %reduce_sum3A_30 = vector.multi_reduction <add>, %exp3A_27, %reduce_sum3A_29 [1] : vector<1024x1024xf32> to vector<1024xf32>
    %broadcast_in_dim3A_31 = vector.shape_cast %reduce_sum3A_30 : vector<1024xf32> to vector<1024x1xf32>
    %add3A = arith.addf %mul3A_28, %broadcast_in_dim3A_31 : vector<1024x1xf32>
    %mul3A_32 = vector.broadcast %exp3A_24 : vector<1024x1xf32> to vector<1024x64xf32>
    %mul3A_33 = arith.mulf %mul3A_32, %dot_general3A_17 : vector<1024x64xf32>
    %get3A_34 = arith.constant 1024 : index
    %get3A_35 = arith.constant 0 : index
    %get3A_36 = vector.load %arg4[%get3A_34, %get3A_35] : memref<2048x128xf32, #tpu.memory_space<vmem>>, vector<1024x64xf32>
    %dot_general3A_37 = arith.constant dense<0.000000e+00> : vector<1024x64xf32>
    %dot_general3A_38 = tpu.matmul %exp3A_27, %get3A_36, %dot_general3A_37 {dimension_numbers = #tpu.dot_dimension_numbers<[1], [0], [0], [1], [0, 0, 1, 1], [], []>, transpose_lhs_hint = false} : vector<1024x1024xf32>, vector<1024x64xf32>, vector<1024x64xf32> -> vector<1024x64xf32>
    %add3A_39 = arith.addf %mul3A_33, %dot_general3A_38 : vector<1024x64xf32>
    %div3A = arith.constant 1.000000e+00 : f32
    %div3A_40 = vector.broadcast %div3A : f32 to vector<1024x1xf32>
    %div3A_41 = arith.divf %div3A_40, %add3A : vector<1024x1xf32>
    %mul3A_42 = vector.broadcast %div3A_41 : vector<1024x1xf32> to vector<1024x64xf32>
    %mul3A_43 = arith.mulf %add3A_39, %mul3A_42 : vector<1024x64xf32>
    %convert_element_type3A = arith.truncf %mul3A_43 : vector<1024x64xf32> to vector<1024x64xbf16>
    %swap3A = arith.constant 0 : index
    %swap3A_44 = arith.constant 0 : index
    %swap3A_45 = vector.load %arg5[%swap3A, %swap3A_44] : memref<1024x128xbf16, #tpu.memory_space<vmem>>, vector<1024x64xbf16>
    tpu.vector_store %arg5[%swap3A, %swap3A_44], %convert_element_type3A {strides = array<i32>} : memref<1024x128xbf16, #tpu.memory_space<vmem>>, vector<1024x64xbf16>,
    %slice3A_46 = vector.extract_strided_slice %get3A_1 {offsets = [0, 64], sizes = [1024, 64], strides = [1, 1]} : vector<1024x128xbf16> to vector<1024x64xbf16>
    %get3A_47 = arith.constant 0 : index
    %get3A_48 = arith.constant 64 : index
    %get3A_49 = vector.load %arg3[%get3A_47, %get3A_48] : memref<2048x128xbf16, #tpu.memory_space<vmem>>, vector<2048x64xbf16>
    %dot_general3A_50 = arith.constant dense<0.000000e+00> : vector<1024x2048xf32>
    %dot_general3A_51 = tpu.matmul %slice3A_46, %get3A_49, %dot_general3A_50 {dimension_numbers = #tpu.dot_dimension_numbers<[1], [1], [0], [0], [0, 0, 1, 0], [], []>, transpose_lhs_hint = false} : vector<1024x64xbf16>, vector<2048x64xbf16>, vector<1024x2048xf32> -> vector<1024x2048xf32>
    %mul3A_52 = arith.constant 1.250000e-01 : f32
    %mul3A_53 = vector.broadcast %mul3A_52 : f32 to vector<1024x2048xf32>
    %mul3A_54 = arith.mulf %dot_general3A_51, %mul3A_53 : vector<1024x2048xf32>
    %slice3A_55 = vector.extract_strided_slice %mul3A_54 {offsets = [0, 0], sizes = [1024, 1024], strides = [1, 1]} : vector<1024x2048xf32> to vector<1024x1024xf32>
    %reduce_max3A_56 = arith.constant dense<0xFF800000> : vector<1024xf32>
    %reduce_max3A_57 = vector.multi_reduction <maximumf>, %slice3A_55, %reduce_max3A_56 [1] : vector<1024x1024xf32> to vector<1024xf32>
    %broadcast_in_dim3A_58 = vector.shape_cast %reduce_max3A_57 : vector<1024xf32> to vector<1024x1xf32>
    %sub3A_59 = vector.broadcast %broadcast_in_dim3A_58 : vector<1024x1xf32> to vector<1024x1024xf32>
    %sub3A_60 = arith.subf %slice3A_55, %sub3A_59 : vector<1024x1024xf32>
    %exp3A_61 = math.exp %sub3A_60 : vector<1024x1024xf32>
    %reduce_sum3A_62 = arith.constant dense<0.000000e+00> : vector<1024xf32>
    %reduce_sum3A_63 = vector.multi_reduction <add>, %exp3A_61, %reduce_sum3A_62 [1] : vector<1024x1024xf32> to vector<1024xf32>
    %broadcast_in_dim3A_64 = vector.shape_cast %reduce_sum3A_63 : vector<1024xf32> to vector<1024x1xf32>
    %get3A_65 = arith.constant 0 : index
    %get3A_66 = arith.constant 64 : index
    %get3A_67 = vector.load %arg4[%get3A_65, %get3A_66] : memref<2048x128xf32, #tpu.memory_space<vmem>>, vector<1024x64xf32>
    %dot_general3A_68 = arith.constant dense<0.000000e+00> : vector<1024x64xf32>
    %dot_general3A_69 = tpu.matmul %exp3A_61, %get3A_67, %dot_general3A_68 {dimension_numbers = #tpu.dot_dimension_numbers<[1], [0], [0], [1], [0, 0, 1, 1], [], []>, transpose_lhs_hint = false} : vector<1024x1024xf32>, vector<1024x64xf32>, vector<1024x64xf32> -> vector<1024x64xf32>
    %slice3A_70 = vector.extract_strided_slice %mul3A_54 {offsets = [0, 1024], sizes = [1024, 1024], strides = [1, 1]} : vector<1024x2048xf32> to vector<1024x1024xf32>
    %reduce_max3A_71 = arith.constant dense<0xFF800000> : vector<1024xf32>
    %reduce_max3A_72 = vector.multi_reduction <maximumf>, %slice3A_70, %reduce_max3A_71 [1] : vector<1024x1024xf32> to vector<1024xf32>
    %broadcast_in_dim3A_73 = vector.shape_cast %reduce_max3A_72 : vector<1024xf32> to vector<1024x1xf32>
    %max3A_74 = arith.maximumf %broadcast_in_dim3A_58, %broadcast_in_dim3A_73 : vector<1024x1xf32>
    %eq3A_75 = arith.cmpf oeq, %broadcast_in_dim3A_58, %max3A_74 : vector<1024x1xf32>
    %sub3A_76 = arith.subf %broadcast_in_dim3A_58, %max3A_74 : vector<1024x1xf32>
    %jit3A_77 = arith.constant 0.000000e+00 : f32
    %broadcast_in_dim3A_78 = vector.broadcast %jit3A_77 : f32 to vector<1024x1xf32>
    %select_n3A_79 = arith.select %eq3A_75, %broadcast_in_dim3A_78, %sub3A_76 : vector<1024x1xi1>, vector<1024x1xf32>
    %exp3A_80 = math.exp %select_n3A_79 : vector<1024x1xf32>
    %sub3A_81 = vector.broadcast %max3A_74 : vector<1024x1xf32> to vector<1024x1024xf32>
    %sub3A_82 = arith.subf %slice3A_70, %sub3A_81 : vector<1024x1024xf32>
    %exp3A_83 = math.exp %sub3A_82 : vector<1024x1024xf32>
    %mul3A_84 = arith.mulf %exp3A_80, %broadcast_in_dim3A_64 : vector<1024x1xf32>
    %reduce_sum3A_85 = arith.constant dense<0.000000e+00> : vector<1024xf32>
    %reduce_sum3A_86 = vector.multi_reduction <add>, %exp3A_83, %reduce_sum3A_85 [1] : vector<1024x1024xf32> to vector<1024xf32>
    %broadcast_in_dim3A_87 = vector.shape_cast %reduce_sum3A_86 : vector<1024xf32> to vector<1024x1xf32>
    %add3A_88 = arith.addf %mul3A_84, %broadcast_in_dim3A_87 : vector<1024x1xf32>
    %mul3A_89 = vector.broadcast %exp3A_80 : vector<1024x1xf32> to vector<1024x64xf32>
    %mul3A_90 = arith.mulf %mul3A_89, %dot_general3A_69 : vector<1024x64xf32>
    %get3A_91 = arith.constant 1024 : index
    %get3A_92 = arith.constant 64 : index
    %get3A_93 = vector.load %arg4[%get3A_91, %get3A_92] : memref<2048x128xf32, #tpu.memory_space<vmem>>, vector<1024x64xf32>
    %dot_general3A_94 = arith.constant dense<0.000000e+00> : vector<1024x64xf32>
    %dot_general3A_95 = tpu.matmul %exp3A_83, %get3A_93, %dot_general3A_94 {dimension_numbers = #tpu.dot_dimension_numbers<[1], [0], [0], [1], [0, 0, 1, 1], [], []>, transpose_lhs_hint = false} : vector<1024x1024xf32>, vector<1024x64xf32>, vector<1024x64xf32> -> vector<1024x64xf32>
    %add3A_96 = arith.addf %mul3A_90, %dot_general3A_95 : vector<1024x64xf32>
    %div3A_97 = arith.constant 1.000000e+00 : f32
    %div3A_98 = vector.broadcast %div3A_97 : f32 to vector<1024x1xf32>
    %div3A_99 = arith.divf %div3A_98, %add3A_88 : vector<1024x1xf32>
    %mul3A_100 = vector.broadcast %div3A_99 : vector<1024x1xf32> to vector<1024x64xf32>
    %mul3A_101 = arith.mulf %add3A_96, %mul3A_100 : vector<1024x64xf32>
    %convert_element_type3A_102 = arith.truncf %mul3A_101 : vector<1024x64xf32> to vector<1024x64xbf16>
    %swap3A_103 = arith.constant 0 : index
    %swap3A_104 = arith.constant 64 : index
    %swap3A_105 = vector.load %arg5[%swap3A_103, %swap3A_104] : memref<1024x128xbf16, #tpu.memory_space<vmem>>, vector<1024x64xbf16>
    tpu.vector_store %arg5[%swap3A_103, %swap3A_104], %convert_element_type3A_102 {strides = array<i32>} : memref<1024x128xbf16, #tpu.memory_space<vmem>>, vector<1024x64xbf16>,
    return
  }
  func.func @transform_0(%arg0: i32, %arg1: i32) -> (i32, i32) {
    %c0_i32 = arith.constant 0 : i32
    return %arg1, %arg0 : i32, i32
  }
  func.func @transform_1(%arg0: i32, %arg1: i32) -> (i32, i32) {
    %c0_i32 = arith.constant 0 : i32
    %c0_i32_0 = arith.constant 0 : i32
    return %c0_i32, %arg0 : i32, i32
  }
  func.func @transform_2(%arg0: i32, %arg1: i32) -> (i32, i32) {
    %c0_i32 = arith.constant 0 : i32
    %c0_i32_0 = arith.constant 0 : i32
    return %c0_i32, %arg0 : i32, i32
  }
  func.func @transform_3(%arg0: i32, %arg1: i32) -> (i32, i32) {
    %c0_i32 = arith.constant 0 : i32
    return %arg1, %arg0 : i32, i32
  }
}

module attributes {stable_mosaic.version = 14 : i64} {
  func.func @_qkv_body(%arg0: i32, %arg1: memref<512x768xf32, #tpu.memory_space<vmem>>, %arg2: memref<768x768xf32, #tpu.memory_space<vmem>>, %arg3: memref<768x768xf32, #tpu.memory_space<vmem>>, %arg4: memref<768x768xf32, #tpu.memory_space<vmem>>, %arg5: memref<1x768xf32, #tpu.memory_space<vmem>>, %arg6: memref<1x768xf32, #tpu.memory_space<vmem>>, %arg7: memref<1x768xf32, #tpu.memory_space<vmem>>, %arg8: memref<512x768xbf16, #tpu.memory_space<vmem>>, %arg9: memref<512x768xbf16, #tpu.memory_space<vmem>>, %arg10: memref<512x768xf32, #tpu.memory_space<vmem>>) attributes {dimension_semantics = [#tpu.dimension_semantics<arbitrary>], iteration_bounds = array<i64: 4>, scalar_prefetch = 0 : i64, scratch_operands = 0 : i64, tpu.core_type = #tpu.core_type<tc>, window_params = [{transform_indices = @transform_0, window_bounds = array<i64: 512, 768>}, {pipeline_mode = #tpu.pipeline_mode<synchronous>, transform_indices = @transform_1, window_bounds = array<i64: 768, 768>}, {pipeline_mode = #tpu.pipeline_mode<synchronous>, transform_indices = @transform_2, window_bounds = array<i64: 768, 768>}, {pipeline_mode = #tpu.pipeline_mode<synchronous>, transform_indices = @transform_3, window_bounds = array<i64: 768, 768>}, {pipeline_mode = #tpu.pipeline_mode<synchronous>, transform_indices = @transform_4, window_bounds = array<i64: 1, 768>}, {pipeline_mode = #tpu.pipeline_mode<synchronous>, transform_indices = @transform_5, window_bounds = array<i64: 1, 768>}, {pipeline_mode = #tpu.pipeline_mode<synchronous>, transform_indices = @transform_6, window_bounds = array<i64: 1, 768>}, {transform_indices = @transform_7, window_bounds = array<i64: 512, 768>}, {transform_indices = @transform_8, window_bounds = array<i64: 512, 768>}, {transform_indices = @transform_9, window_bounds = array<i64: 512, 768>}]} {
    %get3A = arith.constant 0 : index
    %get3A_0 = arith.constant 0 : index
    %get3A_1 = vector.load %arg1[%get3A, %get3A_0] : memref<512x768xf32, #tpu.memory_space<vmem>>, vector<512x768xf32>
    %get3A_2 = arith.constant 0 : index
    %get3A_3 = arith.constant 0 : index
    %get3A_4 = vector.load %arg2[%get3A_2, %get3A_3] : memref<768x768xf32, #tpu.memory_space<vmem>>, vector<768x768xf32>
    %dot_general3A = arith.constant dense<0.000000e+00> : vector<512x768xf32>
    %dot_general3A_5 = tpu.matmul %get3A_1, %get3A_4, %dot_general3A {dimension_numbers = #tpu.dot_dimension_numbers<[1], [0], [0], [1], [0, 0, 1, 1], [], []>, transpose_lhs_hint = false} : vector<512x768xf32>, vector<768x768xf32>, vector<512x768xf32> -> vector<512x768xf32>
    %get3A_6 = arith.constant 0 : index
    %get3A_7 = arith.constant 0 : index
    %get3A_8 = vector.load %arg5[%get3A_6, %get3A_7] : memref<1x768xf32, #tpu.memory_space<vmem>>, vector<1x768xf32>
    %add3A = vector.broadcast %get3A_8 : vector<1x768xf32> to vector<512x768xf32>
    %add3A_9 = arith.addf %dot_general3A_5, %add3A : vector<512x768xf32>
    %get3A_10 = arith.constant 0 : index
    %get3A_11 = arith.constant 0 : index
    %get3A_12 = vector.load %arg3[%get3A_10, %get3A_11] : memref<768x768xf32, #tpu.memory_space<vmem>>, vector<768x768xf32>
    %dot_general3A_13 = arith.constant dense<0.000000e+00> : vector<512x768xf32>
    %dot_general3A_14 = tpu.matmul %get3A_1, %get3A_12, %dot_general3A_13 {dimension_numbers = #tpu.dot_dimension_numbers<[1], [0], [0], [1], [0, 0, 1, 1], [], []>, transpose_lhs_hint = false} : vector<512x768xf32>, vector<768x768xf32>, vector<512x768xf32> -> vector<512x768xf32>
    %get3A_15 = arith.constant 0 : index
    %get3A_16 = arith.constant 0 : index
    %get3A_17 = vector.load %arg6[%get3A_15, %get3A_16] : memref<1x768xf32, #tpu.memory_space<vmem>>, vector<1x768xf32>
    %add3A_18 = vector.broadcast %get3A_17 : vector<1x768xf32> to vector<512x768xf32>
    %add3A_19 = arith.addf %dot_general3A_14, %add3A_18 : vector<512x768xf32>
    %get3A_20 = arith.constant 0 : index
    %get3A_21 = arith.constant 0 : index
    %get3A_22 = vector.load %arg4[%get3A_20, %get3A_21] : memref<768x768xf32, #tpu.memory_space<vmem>>, vector<768x768xf32>
    %dot_general3A_23 = arith.constant dense<0.000000e+00> : vector<512x768xf32>
    %dot_general3A_24 = tpu.matmul %get3A_1, %get3A_22, %dot_general3A_23 {dimension_numbers = #tpu.dot_dimension_numbers<[1], [0], [0], [1], [0, 0, 1, 1], [], []>, transpose_lhs_hint = false} : vector<512x768xf32>, vector<768x768xf32>, vector<512x768xf32> -> vector<512x768xf32>
    %get3A_25 = arith.constant 0 : index
    %get3A_26 = arith.constant 0 : index
    %get3A_27 = vector.load %arg7[%get3A_25, %get3A_26] : memref<1x768xf32, #tpu.memory_space<vmem>>, vector<1x768xf32>
    %add3A_28 = vector.broadcast %get3A_27 : vector<1x768xf32> to vector<512x768xf32>
    %add3A_29 = arith.addf %dot_general3A_24, %add3A_28 : vector<512x768xf32>
    %convert_element_type3A = arith.truncf %add3A_9 : vector<512x768xf32> to vector<512x768xbf16>
    %swap3A = arith.constant 0 : index
    %swap3A_30 = arith.constant 0 : index
    %swap3A_31 = vector.load %arg8[%swap3A, %swap3A_30] : memref<512x768xbf16, #tpu.memory_space<vmem>>, vector<512x768xbf16>
    tpu.vector_store %arg8[%swap3A, %swap3A_30], %convert_element_type3A {strides = array<i32>} : memref<512x768xbf16, #tpu.memory_space<vmem>>, vector<512x768xbf16>,
    %convert_element_type3A_32 = arith.truncf %add3A_19 : vector<512x768xf32> to vector<512x768xbf16>
    %swap3A_33 = arith.constant 0 : index
    %swap3A_34 = arith.constant 0 : index
    %swap3A_35 = vector.load %arg9[%swap3A_33, %swap3A_34] : memref<512x768xbf16, #tpu.memory_space<vmem>>, vector<512x768xbf16>
    tpu.vector_store %arg9[%swap3A_33, %swap3A_34], %convert_element_type3A_32 {strides = array<i32>} : memref<512x768xbf16, #tpu.memory_space<vmem>>, vector<512x768xbf16>,
    %swap3A_36 = arith.constant 0 : index
    %swap3A_37 = arith.constant 0 : index
    %swap3A_38 = vector.load %arg10[%swap3A_36, %swap3A_37] : memref<512x768xf32, #tpu.memory_space<vmem>>, vector<512x768xf32>
    tpu.vector_store %arg10[%swap3A_36, %swap3A_37], %add3A_29 {strides = array<i32>} : memref<512x768xf32, #tpu.memory_space<vmem>>, vector<512x768xf32>,
    return
  }
  func.func @transform_0(%arg0: i32) -> (i32, i32) {
    %c0_i32 = arith.constant 0 : i32
    %c0_i32_0 = arith.constant 0 : i32
    return %arg0, %c0_i32 : i32, i32
  }
  func.func @transform_1(%arg0: i32) -> (i32, i32) {
    %c0_i32 = arith.constant 0 : i32
    %c0_i32_0 = arith.constant 0 : i32
    %c0_i32_1 = arith.constant 0 : i32
    return %c0_i32, %c0_i32_0 : i32, i32
  }
  func.func @transform_2(%arg0: i32) -> (i32, i32) {
    %c0_i32 = arith.constant 0 : i32
    %c0_i32_0 = arith.constant 0 : i32
    %c0_i32_1 = arith.constant 0 : i32
    return %c0_i32, %c0_i32_0 : i32, i32
  }
  func.func @transform_3(%arg0: i32) -> (i32, i32) {
    %c0_i32 = arith.constant 0 : i32
    %c0_i32_0 = arith.constant 0 : i32
    %c0_i32_1 = arith.constant 0 : i32
    return %c0_i32, %c0_i32_0 : i32, i32
  }
  func.func @transform_4(%arg0: i32) -> (i32, i32) {
    %c0_i32 = arith.constant 0 : i32
    %c0_i32_0 = arith.constant 0 : i32
    %c0_i32_1 = arith.constant 0 : i32
    return %c0_i32, %c0_i32_0 : i32, i32
  }
  func.func @transform_5(%arg0: i32) -> (i32, i32) {
    %c0_i32 = arith.constant 0 : i32
    %c0_i32_0 = arith.constant 0 : i32
    %c0_i32_1 = arith.constant 0 : i32
    return %c0_i32, %c0_i32_0 : i32, i32
  }
  func.func @transform_6(%arg0: i32) -> (i32, i32) {
    %c0_i32 = arith.constant 0 : i32
    %c0_i32_0 = arith.constant 0 : i32
    %c0_i32_1 = arith.constant 0 : i32
    return %c0_i32, %c0_i32_0 : i32, i32
  }
  func.func @transform_7(%arg0: i32) -> (i32, i32) {
    %c0_i32 = arith.constant 0 : i32
    %c0_i32_0 = arith.constant 0 : i32
    return %arg0, %c0_i32 : i32, i32
  }
  func.func @transform_8(%arg0: i32) -> (i32, i32) {
    %c0_i32 = arith.constant 0 : i32
    %c0_i32_0 = arith.constant 0 : i32
    return %arg0, %c0_i32 : i32, i32
  }
  func.func @transform_9(%arg0: i32) -> (i32, i32) {
    %c0_i32 = arith.constant 0 : i32
    %c0_i32_0 = arith.constant 0 : i32
    return %arg0, %c0_i32 : i32, i32
  }
}

module attributes {stable_mosaic.version = 14 : i64} {
  func.func @_proj_ln1_body(%arg0: i32, %arg1: memref<512x768xbf16, #tpu.memory_space<vmem>>, %arg2: memref<768x768xf32, #tpu.memory_space<vmem>>, %arg3: memref<1x768xf32, #tpu.memory_space<vmem>>, %arg4: memref<1x768xf32, #tpu.memory_space<vmem>>, %arg5: memref<1x768xf32, #tpu.memory_space<vmem>>, %arg6: memref<512x768xf32, #tpu.memory_space<vmem>>, %arg7: memref<512x768xf32, #tpu.memory_space<vmem>>, %arg8: memref<512x768xbf16, #tpu.memory_space<vmem>>) attributes {dimension_semantics = [#tpu.dimension_semantics<arbitrary>], iteration_bounds = array<i64: 4>, scalar_prefetch = 0 : i64, scratch_operands = 0 : i64, tpu.core_type = #tpu.core_type<tc>, window_params = [{transform_indices = @transform_0, window_bounds = array<i64: 512, 768>}, {pipeline_mode = #tpu.pipeline_mode<synchronous>, transform_indices = @transform_1, window_bounds = array<i64: 768, 768>}, {pipeline_mode = #tpu.pipeline_mode<synchronous>, transform_indices = @transform_2, window_bounds = array<i64: 1, 768>}, {pipeline_mode = #tpu.pipeline_mode<synchronous>, transform_indices = @transform_3, window_bounds = array<i64: 1, 768>}, {pipeline_mode = #tpu.pipeline_mode<synchronous>, transform_indices = @transform_4, window_bounds = array<i64: 1, 768>}, {transform_indices = @transform_5, window_bounds = array<i64: 512, 768>}, {transform_indices = @transform_6, window_bounds = array<i64: 512, 768>}, {transform_indices = @transform_7, window_bounds = array<i64: 512, 768>}]} {
    %get3A = arith.constant 0 : index
    %get3A_0 = arith.constant 0 : index
    %get3A_1 = vector.load %arg1[%get3A, %get3A_0] : memref<512x768xbf16, #tpu.memory_space<vmem>>, vector<512x768xbf16>
    %convert_element_type3A = arith.extf %get3A_1 : vector<512x768xbf16> to vector<512x768xf32>
    %get3A_2 = arith.constant 0 : index
    %get3A_3 = arith.constant 0 : index
    %get3A_4 = vector.load %arg2[%get3A_2, %get3A_3] : memref<768x768xf32, #tpu.memory_space<vmem>>, vector<768x768xf32>
    %dot_general3A = arith.constant dense<0.000000e+00> : vector<512x768xf32>
    %dot_general3A_5 = tpu.matmul %convert_element_type3A, %get3A_4, %dot_general3A {dimension_numbers = #tpu.dot_dimension_numbers<[1], [0], [0], [1], [0, 0, 1, 1], [], []>, transpose_lhs_hint = false} : vector<512x768xf32>, vector<768x768xf32>, vector<512x768xf32> -> vector<512x768xf32>
    %get3A_6 = arith.constant 0 : index
    %get3A_7 = arith.constant 0 : index
    %get3A_8 = vector.load %arg3[%get3A_6, %get3A_7] : memref<1x768xf32, #tpu.memory_space<vmem>>, vector<1x768xf32>
    %add3A = vector.broadcast %get3A_8 : vector<1x768xf32> to vector<512x768xf32>
    %add3A_9 = arith.addf %dot_general3A_5, %add3A : vector<512x768xf32>
    %reduce_sum3A = arith.constant dense<0.000000e+00> : vector<512xf32>
    %reduce_sum3A_10 = vector.multi_reduction <add>, %add3A_9, %reduce_sum3A [1] : vector<512x768xf32> to vector<512xf32>
    %broadcast_in_dim3A = vector.shape_cast %reduce_sum3A_10 : vector<512xf32> to vector<512x1xf32>
    %mul3A = arith.constant 0.00130208337 : f32
    %mul3A_11 = vector.broadcast %mul3A : f32 to vector<512x1xf32>
    %mul3A_12 = arith.mulf %broadcast_in_dim3A, %mul3A_11 : vector<512x1xf32>
    %sub3A = vector.broadcast %mul3A_12 : vector<512x1xf32> to vector<512x768xf32>
    %sub3A_13 = arith.subf %add3A_9, %sub3A : vector<512x768xf32>
    %integer_pow3A = arith.mulf %sub3A_13, %sub3A_13 : vector<512x768xf32>
    %reduce_sum3A_14 = arith.constant dense<0.000000e+00> : vector<512xf32>
    %reduce_sum3A_15 = vector.multi_reduction <add>, %integer_pow3A, %reduce_sum3A_14 [1] : vector<512x768xf32> to vector<512xf32>
    %broadcast_in_dim3A_16 = vector.shape_cast %reduce_sum3A_15 : vector<512xf32> to vector<512x1xf32>
    %mul3A_17 = arith.constant 0.00130208337 : f32
    %mul3A_18 = vector.broadcast %mul3A_17 : f32 to vector<512x1xf32>
    %mul3A_19 = arith.mulf %broadcast_in_dim3A_16, %mul3A_18 : vector<512x1xf32>
    %sub3A_20 = vector.broadcast %mul3A_12 : vector<512x1xf32> to vector<512x768xf32>
    %sub3A_21 = arith.subf %add3A_9, %sub3A_20 : vector<512x768xf32>
    %add3A_22 = arith.constant 9.99999974E-6 : f32
    %add3A_23 = vector.broadcast %add3A_22 : f32 to vector<512x1xf32>
    %add3A_24 = arith.addf %mul3A_19, %add3A_23 : vector<512x1xf32>
    %sqrt3A = math.sqrt %add3A_24 : vector<512x1xf32>
    %div3A = vector.broadcast %sqrt3A : vector<512x1xf32> to vector<512x768xf32>
    %div3A_25 = arith.divf %sub3A_21, %div3A : vector<512x768xf32>
    %get3A_26 = arith.constant 0 : index
    %get3A_27 = arith.constant 0 : index
    %get3A_28 = vector.load %arg4[%get3A_26, %get3A_27] : memref<1x768xf32, #tpu.memory_space<vmem>>, vector<1x768xf32>
    %mul3A_29 = vector.broadcast %get3A_28 : vector<1x768xf32> to vector<512x768xf32>
    %mul3A_30 = arith.mulf %div3A_25, %mul3A_29 : vector<512x768xf32>
    %get3A_31 = arith.constant 0 : index
    %get3A_32 = arith.constant 0 : index
    %get3A_33 = vector.load %arg5[%get3A_31, %get3A_32] : memref<1x768xf32, #tpu.memory_space<vmem>>, vector<1x768xf32>
    %add3A_34 = vector.broadcast %get3A_33 : vector<1x768xf32> to vector<512x768xf32>
    %add3A_35 = arith.addf %mul3A_30, %add3A_34 : vector<512x768xf32>
    %get3A_36 = arith.constant 0 : index
    %get3A_37 = arith.constant 0 : index
    %get3A_38 = vector.load %arg6[%get3A_36, %get3A_37] : memref<512x768xf32, #tpu.memory_space<vmem>>, vector<512x768xf32>
    %add3A_39 = arith.addf %get3A_38, %add3A_35 : vector<512x768xf32>
    %swap3A = arith.constant 0 : index
    %swap3A_40 = arith.constant 0 : index
    %swap3A_41 = vector.load %arg7[%swap3A, %swap3A_40] : memref<512x768xf32, #tpu.memory_space<vmem>>, vector<512x768xf32>
    tpu.vector_store %arg7[%swap3A, %swap3A_40], %add3A_39 {strides = array<i32>} : memref<512x768xf32, #tpu.memory_space<vmem>>, vector<512x768xf32>,
    %convert_element_type3A_42 = arith.truncf %add3A_39 : vector<512x768xf32> to vector<512x768xbf16>
    %swap3A_43 = arith.constant 0 : index
    %swap3A_44 = arith.constant 0 : index
    %swap3A_45 = vector.load %arg8[%swap3A_43, %swap3A_44] : memref<512x768xbf16, #tpu.memory_space<vmem>>, vector<512x768xbf16>
    tpu.vector_store %arg8[%swap3A_43, %swap3A_44], %convert_element_type3A_42 {strides = array<i32>} : memref<512x768xbf16, #tpu.memory_space<vmem>>, vector<512x768xbf16>,
    return
  }
  func.func @transform_0(%arg0: i32) -> (i32, i32) {
    %c0_i32 = arith.constant 0 : i32
    %c0_i32_0 = arith.constant 0 : i32
    return %arg0, %c0_i32 : i32, i32
  }
  func.func @transform_1(%arg0: i32) -> (i32, i32) {
    %c0_i32 = arith.constant 0 : i32
    %c0_i32_0 = arith.constant 0 : i32
    %c0_i32_1 = arith.constant 0 : i32
    return %c0_i32, %c0_i32_0 : i32, i32
  }
  func.func @transform_2(%arg0: i32) -> (i32, i32) {
    %c0_i32 = arith.constant 0 : i32
    %c0_i32_0 = arith.constant 0 : i32
    %c0_i32_1 = arith.constant 0 : i32
    return %c0_i32, %c0_i32_0 : i32, i32
  }
  func.func @transform_3(%arg0: i32) -> (i32, i32) {
    %c0_i32 = arith.constant 0 : i32
    %c0_i32_0 = arith.constant 0 : i32
    %c0_i32_1 = arith.constant 0 : i32
    return %c0_i32, %c0_i32_0 : i32, i32
  }
  func.func @transform_4(%arg0: i32) -> (i32, i32) {
    %c0_i32 = arith.constant 0 : i32
    %c0_i32_0 = arith.constant 0 : i32
    %c0_i32_1 = arith.constant 0 : i32
    return %c0_i32, %c0_i32_0 : i32, i32
  }
  func.func @transform_5(%arg0: i32) -> (i32, i32) {
    %c0_i32 = arith.constant 0 : i32
    %c0_i32_0 = arith.constant 0 : i32
    return %arg0, %c0_i32 : i32, i32
  }
  func.func @transform_6(%arg0: i32) -> (i32, i32) {
    %c0_i32 = arith.constant 0 : i32
    %c0_i32_0 = arith.constant 0 : i32
    return %arg0, %c0_i32 : i32, i32
  }
  func.func @transform_7(%arg0: i32) -> (i32, i32) {
    %c0_i32 = arith.constant 0 : i32
    %c0_i32_0 = arith.constant 0 : i32
    return %arg0, %c0_i32 : i32, i32
  }
}

module attributes {stable_mosaic.version = 14 : i64} {
  func.func @_route_body(%arg0: memref<2048x768xf32, #tpu.memory_space<vmem>>, %arg1: memref<768x8xf32, #tpu.memory_space<vmem>>, %arg2: memref<1x8xf32, #tpu.memory_space<vmem>>, %arg3: memref<4096x1xi32, #tpu.memory_space<vmem>>, %arg4: memref<23x8xi32, #tpu.memory_space<vmem>>, %arg5: memref<2048x2xf32, #tpu.memory_space<vmem>>) attributes {dimension_semantics = [], scalar_prefetch = 0 : i64, scratch_operands = 0 : i64, tpu.core_type = #tpu.core_type<tc>} {
    %get3A = arith.constant 0 : index
    %get3A_0 = arith.constant 0 : index
    %get3A_1 = vector.load %arg0[%get3A, %get3A_0] : memref<2048x768xf32, #tpu.memory_space<vmem>>, vector<2048x768xf32>
    %get3A_2 = arith.constant 0 : index
    %get3A_3 = arith.constant 0 : index
    %get3A_4 = vector.load %arg1[%get3A_2, %get3A_3] : memref<768x8xf32, #tpu.memory_space<vmem>>, vector<768x8xf32>
    %dot_general3A = arith.constant dense<0.000000e+00> : vector<2048x8xf32>
    %dot_general3A_5 = tpu.matmul %get3A_1, %get3A_4, %dot_general3A {dimension_numbers = #tpu.dot_dimension_numbers<[1], [0], [0], [1], [0, 0, 1, 1], [], []>, transpose_lhs_hint = false} : vector<2048x768xf32>, vector<768x8xf32>, vector<2048x8xf32> -> vector<2048x8xf32>
    %get3A_6 = arith.constant 0 : index
    %get3A_7 = arith.constant 0 : index
    %get3A_8 = vector.load %arg2[%get3A_6, %get3A_7] : memref<1x8xf32, #tpu.memory_space<vmem>>, vector<1x8xf32>
    %add3A = vector.broadcast %get3A_8 : vector<1x8xf32> to vector<2048x8xf32>
    %add3A_9 = arith.addf %dot_general3A_5, %add3A : vector<2048x8xf32>
    %reduce_max3A = arith.constant dense<0xFF800000> : vector<2048xf32>
    %reduce_max3A_10 = vector.multi_reduction <maximumf>, %add3A_9, %reduce_max3A [1] : vector<2048x8xf32> to vector<2048xf32>
    %broadcast_in_dim3A = vector.shape_cast %reduce_max3A_10 : vector<2048xf32> to vector<2048x1xf32>
    %sub3A = vector.broadcast %broadcast_in_dim3A : vector<2048x1xf32> to vector<2048x8xf32>
    %sub3A_11 = arith.subf %add3A_9, %sub3A : vector<2048x8xf32>
    %exp3A = math.exp %sub3A_11 : vector<2048x8xf32>
    %reduce_sum3A = arith.constant dense<0.000000e+00> : vector<2048xf32>
    %reduce_sum3A_12 = vector.multi_reduction <add>, %exp3A, %reduce_sum3A [1] : vector<2048x8xf32> to vector<2048xf32>
    %broadcast_in_dim3A_13 = vector.shape_cast %reduce_sum3A_12 : vector<2048xf32> to vector<2048x1xf32>
    %div3A = vector.broadcast %broadcast_in_dim3A_13 : vector<2048x1xf32> to vector<2048x8xf32>
    %div3A_14 = arith.divf %exp3A, %div3A : vector<2048x8xf32>
    %iota3A = tpu.iota {dimensions = array<i32: 1>} : vector<2048x8xi32>
    %reduce_max3A_15 = arith.constant dense<0xFF800000> : vector<2048xf32>
    %reduce_max3A_16 = vector.multi_reduction <maximumf>, %div3A_14, %reduce_max3A_15 [1] : vector<2048x8xf32> to vector<2048xf32>
    %broadcast_in_dim3A_17 = vector.shape_cast %reduce_max3A_16 : vector<2048xf32> to vector<2048x1xf32>
    %eq3A = vector.broadcast %broadcast_in_dim3A_17 : vector<2048x1xf32> to vector<2048x8xf32>
    %eq3A_18 = arith.cmpf oeq, %div3A_14, %eq3A : vector<2048x8xf32>
    %jit3A = arith.constant 8 : i32
    %broadcast_in_dim3A_19 = vector.broadcast %jit3A : i32 to vector<2048x8xi32>
    %select_n3A = arith.select %eq3A_18, %iota3A, %broadcast_in_dim3A_19 : vector<2048x8xi1>, vector<2048x8xi32>
    %reduce_min3A = arith.constant dense<2147483647> : vector<2048xi32>
    %reduce_min3A_20 = vector.multi_reduction <minsi>, %select_n3A, %reduce_min3A [1] : vector<2048x8xi32> to vector<2048xi32>
    %broadcast_in_dim3A_21 = vector.shape_cast %reduce_min3A_20 : vector<2048xi32> to vector<2048x1xi32>
    %eq3A_22 = vector.broadcast %broadcast_in_dim3A_21 : vector<2048x1xi32> to vector<2048x8xi32>
    %eq3A_23 = arith.cmpi eq, %iota3A, %eq3A_22 : vector<2048x8xi32>
    %jit3A_24 = arith.constant 0xFF800000 : f32
    %broadcast_in_dim3A_25 = vector.broadcast %jit3A_24 : f32 to vector<2048x8xf32>
    %select_n3A_26 = arith.select %eq3A_23, %broadcast_in_dim3A_25, %div3A_14 : vector<2048x8xi1>, vector<2048x8xf32>
    %reduce_max3A_27 = arith.constant dense<0xFF800000> : vector<2048xf32>
    %reduce_max3A_28 = vector.multi_reduction <maximumf>, %select_n3A_26, %reduce_max3A_27 [1] : vector<2048x8xf32> to vector<2048xf32>
    %broadcast_in_dim3A_29 = vector.shape_cast %reduce_max3A_28 : vector<2048xf32> to vector<2048x1xf32>
    %eq3A_30 = vector.broadcast %broadcast_in_dim3A_29 : vector<2048x1xf32> to vector<2048x8xf32>
    %eq3A_31 = arith.cmpf oeq, %select_n3A_26, %eq3A_30 : vector<2048x8xf32>
    %jit3A_32 = arith.constant 8 : i32
    %broadcast_in_dim3A_33 = vector.broadcast %jit3A_32 : i32 to vector<2048x8xi32>
    %select_n3A_34 = arith.select %eq3A_31, %iota3A, %broadcast_in_dim3A_33 : vector<2048x8xi1>, vector<2048x8xi32>
    %reduce_min3A_35 = arith.constant dense<2147483647> : vector<2048xi32>
    %reduce_min3A_36 = vector.multi_reduction <minsi>, %select_n3A_34, %reduce_min3A_35 [1] : vector<2048x8xi32> to vector<2048xi32>
    %broadcast_in_dim3A_37 = vector.shape_cast %reduce_min3A_36 : vector<2048xi32> to vector<2048x1xi32>
    %concatenate3A = tpu.concatenate %broadcast_in_dim3A_17, %broadcast_in_dim3A_29 in 1 : vector<2048x1xf32>, vector<2048x1xf32> -> vector<2048x2xf32>
    %swap3A = arith.constant 0 : index
    %swap3A_38 = arith.constant 0 : index
    %swap3A_39 = vector.load %arg5[%swap3A, %swap3A_38] : memref<2048x2xf32, #tpu.memory_space<vmem>>, vector<2048x2xf32>
    tpu.vector_store %arg5[%swap3A, %swap3A_38], %concatenate3A {strides = array<i32>} : memref<2048x2xf32, #tpu.memory_space<vmem>>, vector<2048x2xf32>,
    %eq3A_40 = vector.broadcast %broadcast_in_dim3A_21 : vector<2048x1xi32> to vector<2048x8xi32>
    %eq3A_41 = arith.cmpi eq, %iota3A, %eq3A_40 : vector<2048x8xi32>
    %convert_element_type3A = arith.extui %eq3A_41 : vector<2048x8xi1> to vector<2048x8xi32>
    %convert_element_type3A_42 = arith.sitofp %convert_element_type3A : vector<2048x8xi32> to vector<2048x8xf32>
    %eq3A_43 = vector.broadcast %broadcast_in_dim3A_37 : vector<2048x1xi32> to vector<2048x8xi32>
    %eq3A_44 = arith.cmpi eq, %iota3A, %eq3A_43 : vector<2048x8xi32>
    %convert_element_type3A_45 = arith.extui %eq3A_44 : vector<2048x8xi1> to vector<2048x8xi32>
    %convert_element_type3A_46 = arith.sitofp %convert_element_type3A_45 : vector<2048x8xi32> to vector<2048x8xf32>
    %concatenate3A_47 = tpu.concatenate %convert_element_type3A_42, %convert_element_type3A_46 in 0 : vector<2048x8xf32>, vector<2048x8xf32> -> vector<4096x8xf32>
    %broadcast_in_dim3A_48 = arith.constant 0.000000e+00 : f32
    %broadcast_in_dim3A_49 = vector.broadcast %broadcast_in_dim3A_48 : f32 to vector<1x8xf32>
    %slice3A = vector.extract_strided_slice %concatenate3A_47 {offsets = [0, 0], sizes = [4095, 8], strides = [1, 1]} : vector<4096x8xf32> to vector<4095x8xf32>
    %concatenate3A_50 = tpu.concatenate %broadcast_in_dim3A_49, %slice3A in 0 : vector<1x8xf32>, vector<4095x8xf32> -> vector<4096x8xf32>
    %add3A_51 = arith.addf %concatenate3A_47, %concatenate3A_50 : vector<4096x8xf32>
    %broadcast_in_dim3A_52 = arith.constant 0.000000e+00 : f32
    %broadcast_in_dim3A_53 = vector.broadcast %broadcast_in_dim3A_52 : f32 to vector<2x8xf32>
    %slice3A_54 = vector.extract_strided_slice %add3A_51 {offsets = [0, 0], sizes = [4094, 8], strides = [1, 1]} : vector<4096x8xf32> to vector<4094x8xf32>
    %concatenate3A_55 = tpu.concatenate %broadcast_in_dim3A_53, %slice3A_54 in 0 : vector<2x8xf32>, vector<4094x8xf32> -> vector<4096x8xf32>
    %add3A_56 = arith.addf %add3A_51, %concatenate3A_55 : vector<4096x8xf32>
    %broadcast_in_dim3A_57 = arith.constant 0.000000e+00 : f32
    %broadcast_in_dim3A_58 = vector.broadcast %broadcast_in_dim3A_57 : f32 to vector<4x8xf32>
    %slice3A_59 = vector.extract_strided_slice %add3A_56 {offsets = [0, 0], sizes = [4092, 8], strides = [1, 1]} : vector<4096x8xf32> to vector<4092x8xf32>
    %concatenate3A_60 = tpu.concatenate %broadcast_in_dim3A_58, %slice3A_59 in 0 : vector<4x8xf32>, vector<4092x8xf32> -> vector<4096x8xf32>
    %add3A_61 = arith.addf %add3A_56, %concatenate3A_60 : vector<4096x8xf32>
    %broadcast_in_dim3A_62 = arith.constant 0.000000e+00 : f32
    %broadcast_in_dim3A_63 = vector.broadcast %broadcast_in_dim3A_62 : f32 to vector<8x8xf32>
    %slice3A_64 = vector.extract_strided_slice %add3A_61 {offsets = [0, 0], sizes = [4088, 8], strides = [1, 1]} : vector<4096x8xf32> to vector<4088x8xf32>
    %concatenate3A_65 = tpu.concatenate %broadcast_in_dim3A_63, %slice3A_64 in 0 : vector<8x8xf32>, vector<4088x8xf32> -> vector<4096x8xf32>
    %add3A_66 = arith.addf %add3A_61, %concatenate3A_65 : vector<4096x8xf32>
    %broadcast_in_dim3A_67 = arith.constant 0.000000e+00 : f32
    %broadcast_in_dim3A_68 = vector.broadcast %broadcast_in_dim3A_67 : f32 to vector<16x8xf32>
    %slice3A_69 = vector.extract_strided_slice %add3A_66 {offsets = [0, 0], sizes = [4080, 8], strides = [1, 1]} : vector<4096x8xf32> to vector<4080x8xf32>
    %concatenate3A_70 = tpu.concatenate %broadcast_in_dim3A_68, %slice3A_69 in 0 : vector<16x8xf32>, vector<4080x8xf32> -> vector<4096x8xf32>
    %add3A_71 = arith.addf %add3A_66, %concatenate3A_70 : vector<4096x8xf32>
    %broadcast_in_dim3A_72 = arith.constant 0.000000e+00 : f32
    %broadcast_in_dim3A_73 = vector.broadcast %broadcast_in_dim3A_72 : f32 to vector<32x8xf32>
    %slice3A_74 = vector.extract_strided_slice %add3A_71 {offsets = [0, 0], sizes = [4064, 8], strides = [1, 1]} : vector<4096x8xf32> to vector<4064x8xf32>
    %concatenate3A_75 = tpu.concatenate %broadcast_in_dim3A_73, %slice3A_74 in 0 : vector<32x8xf32>, vector<4064x8xf32> -> vector<4096x8xf32>
    %add3A_76 = arith.addf %add3A_71, %concatenate3A_75 : vector<4096x8xf32>
    %broadcast_in_dim3A_77 = arith.constant 0.000000e+00 : f32
    %broadcast_in_dim3A_78 = vector.broadcast %broadcast_in_dim3A_77 : f32 to vector<64x8xf32>
    %slice3A_79 = vector.extract_strided_slice %add3A_76 {offsets = [0, 0], sizes = [4032, 8], strides = [1, 1]} : vector<4096x8xf32> to vector<4032x8xf32>
    %concatenate3A_80 = tpu.concatenate %broadcast_in_dim3A_78, %slice3A_79 in 0 : vector<64x8xf32>, vector<4032x8xf32> -> vector<4096x8xf32>
    %add3A_81 = arith.addf %add3A_76, %concatenate3A_80 : vector<4096x8xf32>
    %broadcast_in_dim3A_82 = arith.constant 0.000000e+00 : f32
    %broadcast_in_dim3A_83 = vector.broadcast %broadcast_in_dim3A_82 : f32 to vector<128x8xf32>
    %slice3A_84 = vector.extract_strided_slice %add3A_81 {offsets = [0, 0], sizes = [3968, 8], strides = [1, 1]} : vector<4096x8xf32> to vector<3968x8xf32>
    %concatenate3A_85 = tpu.concatenate %broadcast_in_dim3A_83, %slice3A_84 in 0 : vector<128x8xf32>, vector<3968x8xf32> -> vector<4096x8xf32>
    %add3A_86 = arith.addf %add3A_81, %concatenate3A_85 : vector<4096x8xf32>
    %broadcast_in_dim3A_87 = arith.constant 0.000000e+00 : f32
    %broadcast_in_dim3A_88 = vector.broadcast %broadcast_in_dim3A_87 : f32 to vector<256x8xf32>
    %slice3A_89 = vector.extract_strided_slice %add3A_86 {offsets = [0, 0], sizes = [3840, 8], strides = [1, 1]} : vector<4096x8xf32> to vector<3840x8xf32>
    %concatenate3A_90 = tpu.concatenate %broadcast_in_dim3A_88, %slice3A_89 in 0 : vector<256x8xf32>, vector<3840x8xf32> -> vector<4096x8xf32>
    %add3A_91 = arith.addf %add3A_86, %concatenate3A_90 : vector<4096x8xf32>
    %broadcast_in_dim3A_92 = arith.constant 0.000000e+00 : f32
    %broadcast_in_dim3A_93 = vector.broadcast %broadcast_in_dim3A_92 : f32 to vector<512x8xf32>
    %slice3A_94 = vector.extract_strided_slice %add3A_91 {offsets = [0, 0], sizes = [3584, 8], strides = [1, 1]} : vector<4096x8xf32> to vector<3584x8xf32>
    %concatenate3A_95 = tpu.concatenate %broadcast_in_dim3A_93, %slice3A_94 in 0 : vector<512x8xf32>, vector<3584x8xf32> -> vector<4096x8xf32>
    %add3A_96 = arith.addf %add3A_91, %concatenate3A_95 : vector<4096x8xf32>
    %broadcast_in_dim3A_97 = arith.constant 0.000000e+00 : f32
    %broadcast_in_dim3A_98 = vector.broadcast %broadcast_in_dim3A_97 : f32 to vector<1024x8xf32>
    %slice3A_99 = vector.extract_strided_slice %add3A_96 {offsets = [0, 0], sizes = [3072, 8], strides = [1, 1]} : vector<4096x8xf32> to vector<3072x8xf32>
    %concatenate3A_100 = tpu.concatenate %broadcast_in_dim3A_98, %slice3A_99 in 0 : vector<1024x8xf32>, vector<3072x8xf32> -> vector<4096x8xf32>
    %add3A_101 = arith.addf %add3A_96, %concatenate3A_100 : vector<4096x8xf32>
    %broadcast_in_dim3A_102 = arith.constant 0.000000e+00 : f32
    %broadcast_in_dim3A_103 = vector.broadcast %broadcast_in_dim3A_102 : f32 to vector<2048x8xf32>
    %slice3A_104 = vector.extract_strided_slice %add3A_101 {offsets = [0, 0], sizes = [2048, 8], strides = [1, 1]} : vector<4096x8xf32> to vector<2048x8xf32>
    %concatenate3A_105 = tpu.concatenate %broadcast_in_dim3A_103, %slice3A_104 in 0 : vector<2048x8xf32>, vector<2048x8xf32> -> vector<4096x8xf32>
    %add3A_106 = arith.addf %add3A_101, %concatenate3A_105 : vector<4096x8xf32>
    %reduce_sum3A_107 = arith.constant dense<0.000000e+00> : vector<8xf32>
    %reduce_sum3A_108 = vector.multi_reduction <add>, %concatenate3A_47, %reduce_sum3A_107 [0] : vector<4096x8xf32> to vector<8xf32>
    %broadcast_in_dim3A_109 = vector.shape_cast %reduce_sum3A_108 : vector<8xf32> to vector<1x8xf32>
    %broadcast_in_dim3A_110 = arith.constant 0.000000e+00 : f32
    %broadcast_in_dim3A_111 = vector.broadcast %broadcast_in_dim3A_110 : f32 to vector<1x1xf32>
    %slice3A_112 = vector.extract_strided_slice %broadcast_in_dim3A_109 {offsets = [0, 0], sizes = [1, 7], strides = [1, 1]} : vector<1x8xf32> to vector<1x7xf32>
    %concatenate3A_113 = tpu.concatenate %broadcast_in_dim3A_111, %slice3A_112 in 1 : vector<1x1xf32>, vector<1x7xf32> -> vector<1x8xf32>
    %add3A_114 = arith.addf %broadcast_in_dim3A_109, %concatenate3A_113 : vector<1x8xf32>
    %broadcast_in_dim3A_115 = arith.constant 0.000000e+00 : f32
    %broadcast_in_dim3A_116 = vector.broadcast %broadcast_in_dim3A_115 : f32 to vector<1x2xf32>
    %slice3A_117 = vector.extract_strided_slice %add3A_114 {offsets = [0, 0], sizes = [1, 6], strides = [1, 1]} : vector<1x8xf32> to vector<1x6xf32>
    %concatenate3A_118 = tpu.concatenate %broadcast_in_dim3A_116, %slice3A_117 in 1 : vector<1x2xf32>, vector<1x6xf32> -> vector<1x8xf32>
    %add3A_119 = arith.addf %add3A_114, %concatenate3A_118 : vector<1x8xf32>
    %broadcast_in_dim3A_120 = arith.constant 0.000000e+00 : f32
    %broadcast_in_dim3A_121 = vector.broadcast %broadcast_in_dim3A_120 : f32 to vector<1x4xf32>
    %slice3A_122 = vector.extract_strided_slice %add3A_119 {offsets = [0, 0], sizes = [1, 4], strides = [1, 1]} : vector<1x8xf32> to vector<1x4xf32>
    %concatenate3A_123 = tpu.concatenate %broadcast_in_dim3A_121, %slice3A_122 in 1 : vector<1x4xf32>, vector<1x4xf32> -> vector<1x8xf32>
    %add3A_124 = arith.addf %add3A_119, %concatenate3A_123 : vector<1x8xf32>
    %sub3A_125 = arith.subf %add3A_124, %broadcast_in_dim3A_109 : vector<1x8xf32>
    %mul3A = arith.mulf %concatenate3A_47, %add3A_106 : vector<4096x8xf32>
    %reduce_sum3A_126 = arith.constant dense<0.000000e+00> : vector<4096xf32>
    %reduce_sum3A_127 = vector.multi_reduction <add>, %mul3A, %reduce_sum3A_126 [1] : vector<4096x8xf32> to vector<4096xf32>
    %broadcast_in_dim3A_128 = vector.shape_cast %reduce_sum3A_127 : vector<4096xf32> to vector<4096x1xf32>
    %mul3A_129 = vector.broadcast %sub3A_125 : vector<1x8xf32> to vector<4096x8xf32>
    %mul3A_130 = arith.mulf %concatenate3A_47, %mul3A_129 : vector<4096x8xf32>
    %reduce_sum3A_131 = arith.constant dense<0.000000e+00> : vector<4096xf32>
    %reduce_sum3A_132 = vector.multi_reduction <add>, %mul3A_130, %reduce_sum3A_131 [1] : vector<4096x8xf32> to vector<4096xf32>
    %broadcast_in_dim3A_133 = vector.shape_cast %reduce_sum3A_132 : vector<4096xf32> to vector<4096x1xf32>
    %add3A_134 = arith.addf %broadcast_in_dim3A_133, %broadcast_in_dim3A_128 : vector<4096x1xf32>
    %sub3A_135 = arith.constant 1.000000e+00 : f32
    %sub3A_136 = vector.broadcast %sub3A_135 : f32 to vector<4096x1xf32>
    %sub3A_137 = arith.subf %add3A_134, %sub3A_136 : vector<4096x1xf32>
    %convert_element_type3A_138 = arith.fptosi %sub3A_137 : vector<4096x1xf32> to vector<4096x1xi32>
    %swap3A_139 = arith.constant 0 : index
    %swap3A_140 = arith.constant 0 : index
    %swap3A_141 = vector.load %arg3[%swap3A_139, %swap3A_140] : memref<4096x1xi32, #tpu.memory_space<vmem>>, vector<4096x1xi32>
    tpu.vector_store %arg3[%swap3A_139, %swap3A_140], %convert_element_type3A_138 {strides = array<i32>} : memref<4096x1xi32, #tpu.memory_space<vmem>>, vector<4096x1xi32>,
    %add3A_142 = arith.addf %sub3A_125, %broadcast_in_dim3A_109 : vector<1x8xf32>
    %gt3A = arith.constant 0.000000e+00 : f32
    %gt3A_143 = vector.broadcast %gt3A : f32 to vector<1x8xf32>
    %gt3A_144 = arith.cmpf ogt, %broadcast_in_dim3A_109, %gt3A_143 : vector<1x8xf32>
    %div3A_145 = arith.constant 2.560000e+02 : f32
    %div3A_146 = vector.broadcast %div3A_145 : f32 to vector<1x8xf32>
    %div3A_147 = arith.divf %sub3A_125, %div3A_146 : vector<1x8xf32>
    %floor3A = math.floor %div3A_147 : vector<1x8xf32>
    %sub3A_148 = arith.constant 1.000000e+00 : f32
    %sub3A_149 = vector.broadcast %sub3A_148 : f32 to vector<1x8xf32>
    %sub3A_150 = arith.subf %add3A_142, %sub3A_149 : vector<1x8xf32>
    %div3A_151 = arith.constant 2.560000e+02 : f32
    %div3A_152 = vector.broadcast %div3A_151 : f32 to vector<1x8xf32>
    %div3A_153 = arith.divf %sub3A_150, %div3A_152 : vector<1x8xf32>
    %floor3A_154 = math.floor %div3A_153 : vector<1x8xf32>
    %sub3A_155 = arith.subf %floor3A_154, %floor3A : vector<1x8xf32>
    %add3A_156 = arith.constant 1.000000e+00 : f32
    %add3A_157 = vector.broadcast %add3A_156 : f32 to vector<1x8xf32>
    %add3A_158 = arith.addf %sub3A_155, %add3A_157 : vector<1x8xf32>
    %jit3A_159 = arith.constant 0.000000e+00 : f32
    %broadcast_in_dim3A_160 = vector.broadcast %jit3A_159 : f32 to vector<1x8xf32>
    %select_n3A_161 = arith.select %gt3A_144, %add3A_158, %broadcast_in_dim3A_160 : vector<1x8xi1>, vector<1x8xf32>
    %broadcast_in_dim3A_162 = arith.constant 0.000000e+00 : f32
    %broadcast_in_dim3A_163 = vector.broadcast %broadcast_in_dim3A_162 : f32 to vector<1x1xf32>
    %slice3A_164 = vector.extract_strided_slice %select_n3A_161 {offsets = [0, 0], sizes = [1, 7], strides = [1, 1]} : vector<1x8xf32> to vector<1x7xf32>
    %concatenate3A_165 = tpu.concatenate %broadcast_in_dim3A_163, %slice3A_164 in 1 : vector<1x1xf32>, vector<1x7xf32> -> vector<1x8xf32>
    %add3A_166 = arith.addf %select_n3A_161, %concatenate3A_165 : vector<1x8xf32>
    %broadcast_in_dim3A_167 = arith.constant 0.000000e+00 : f32
    %broadcast_in_dim3A_168 = vector.broadcast %broadcast_in_dim3A_167 : f32 to vector<1x2xf32>
    %slice3A_169 = vector.extract_strided_slice %add3A_166 {offsets = [0, 0], sizes = [1, 6], strides = [1, 1]} : vector<1x8xf32> to vector<1x6xf32>
    %concatenate3A_170 = tpu.concatenate %broadcast_in_dim3A_168, %slice3A_169 in 1 : vector<1x2xf32>, vector<1x6xf32> -> vector<1x8xf32>
    %add3A_171 = arith.addf %add3A_166, %concatenate3A_170 : vector<1x8xf32>
    %broadcast_in_dim3A_172 = arith.constant 0.000000e+00 : f32
    %broadcast_in_dim3A_173 = vector.broadcast %broadcast_in_dim3A_172 : f32 to vector<1x4xf32>
    %slice3A_174 = vector.extract_strided_slice %add3A_171 {offsets = [0, 0], sizes = [1, 4], strides = [1, 1]} : vector<1x8xf32> to vector<1x4xf32>
    %concatenate3A_175 = tpu.concatenate %broadcast_in_dim3A_173, %slice3A_174 in 1 : vector<1x4xf32>, vector<1x4xf32> -> vector<1x8xf32>
    %add3A_176 = arith.addf %add3A_171, %concatenate3A_175 : vector<1x8xf32>
    %sub3A_177 = arith.subf %add3A_176, %select_n3A_161 : vector<1x8xf32>
    %add3A_178 = arith.addf %sub3A_177, %select_n3A_161 : vector<1x8xf32>
    %reduce_sum3A_179 = arith.constant dense<0.000000e+00> : vector<1xf32>
    %reduce_sum3A_180 = vector.multi_reduction <add>, %select_n3A_161, %reduce_sum3A_179 [1] : vector<1x8xf32> to vector<1xf32>
    %broadcast_in_dim3A_181 = vector.shape_cast %reduce_sum3A_180 : vector<1xf32> to vector<1x1xf32>
    %iota3A_182 = tpu.iota {dimensions = array<i32: 0>} : vector<23x1xi32>
    %convert_element_type3A_183 = arith.sitofp %iota3A_182 : vector<23x1xi32> to vector<23x1xf32>
    %le3A = vector.broadcast %add3A_178 : vector<1x8xf32> to vector<23x8xf32>
    %le3A_184 = vector.broadcast %convert_element_type3A_183 : vector<23x1xf32> to vector<23x8xf32>
    %le3A_185 = arith.cmpf ole, %le3A, %le3A_184 : vector<23x8xf32>
    %convert_element_type3A_186 = arith.extui %le3A_185 : vector<23x8xi1> to vector<23x8xi32>
    %convert_element_type3A_187 = arith.sitofp %convert_element_type3A_186 : vector<23x8xi32> to vector<23x8xf32>
    %reduce_sum3A_188 = arith.constant dense<0.000000e+00> : vector<23xf32>
    %reduce_sum3A_189 = vector.multi_reduction <add>, %convert_element_type3A_187, %reduce_sum3A_188 [1] : vector<23x8xf32> to vector<23xf32>
    %broadcast_in_dim3A_190 = vector.shape_cast %reduce_sum3A_189 : vector<23xf32> to vector<23x1xf32>
    %lt3A = vector.broadcast %broadcast_in_dim3A_181 : vector<1x1xf32> to vector<23x1xf32>
    %lt3A_191 = arith.cmpf olt, %convert_element_type3A_183, %lt3A : vector<23x1xf32>
    %min3A = arith.constant 7.000000e+00 : f32
    %min3A_192 = vector.broadcast %min3A : f32 to vector<23x1xf32>
    %min3A_193 = arith.minimumf %broadcast_in_dim3A_190, %min3A_192 : vector<23x1xf32>
    %iota3A_194 = tpu.iota {dimensions = array<i32: 1>} : vector<23x8xi32>
    %convert_element_type3A_195 = arith.fptosi %min3A_193 : vector<23x1xf32> to vector<23x1xi32>
    %eq3A_196 = vector.broadcast %convert_element_type3A_195 : vector<23x1xi32> to vector<23x8xi32>
    %eq3A_197 = arith.cmpi eq, %iota3A_194, %eq3A_196 : vector<23x8xi32>
    %convert_element_type3A_198 = arith.extui %eq3A_197 : vector<23x8xi1> to vector<23x8xi32>
    %convert_element_type3A_199 = arith.sitofp %convert_element_type3A_198 : vector<23x8xi32> to vector<23x8xf32>
    %mul3A_200 = vector.broadcast %floor3A : vector<1x8xf32> to vector<23x8xf32>
    %mul3A_201 = arith.mulf %convert_element_type3A_199, %mul3A_200 : vector<23x8xf32>
    %reduce_sum3A_202 = arith.constant dense<0.000000e+00> : vector<23xf32>
    %reduce_sum3A_203 = vector.multi_reduction <add>, %mul3A_201, %reduce_sum3A_202 [1] : vector<23x8xf32> to vector<23xf32>
    %broadcast_in_dim3A_204 = vector.shape_cast %reduce_sum3A_203 : vector<23xf32> to vector<23x1xf32>
    %mul3A_205 = vector.broadcast %sub3A_177 : vector<1x8xf32> to vector<23x8xf32>
    %mul3A_206 = arith.mulf %convert_element_type3A_199, %mul3A_205 : vector<23x8xf32>
    %reduce_sum3A_207 = arith.constant dense<0.000000e+00> : vector<23xf32>
    %reduce_sum3A_208 = vector.multi_reduction <add>, %mul3A_206, %reduce_sum3A_207 [1] : vector<23x8xf32> to vector<23xf32>
    %broadcast_in_dim3A_209 = vector.shape_cast %reduce_sum3A_208 : vector<23xf32> to vector<23x1xf32>
    %mul3A_210 = vector.broadcast %sub3A_125 : vector<1x8xf32> to vector<23x8xf32>
    %mul3A_211 = arith.mulf %convert_element_type3A_199, %mul3A_210 : vector<23x8xf32>
    %reduce_sum3A_212 = arith.constant dense<0.000000e+00> : vector<23xf32>
    %reduce_sum3A_213 = vector.multi_reduction <add>, %mul3A_211, %reduce_sum3A_212 [1] : vector<23x8xf32> to vector<23xf32>
    %broadcast_in_dim3A_214 = vector.shape_cast %reduce_sum3A_213 : vector<23xf32> to vector<23x1xf32>
    %mul3A_215 = vector.broadcast %add3A_142 : vector<1x8xf32> to vector<23x8xf32>
    %mul3A_216 = arith.mulf %convert_element_type3A_199, %mul3A_215 : vector<23x8xf32>
    %reduce_sum3A_217 = arith.constant dense<0.000000e+00> : vector<23xf32>
    %reduce_sum3A_218 = vector.multi_reduction <add>, %mul3A_216, %reduce_sum3A_217 [1] : vector<23x8xf32> to vector<23xf32>
    %broadcast_in_dim3A_219 = vector.shape_cast %reduce_sum3A_218 : vector<23xf32> to vector<23x1xf32>
    %sub3A_220 = arith.subf %convert_element_type3A_183, %broadcast_in_dim3A_209 : vector<23x1xf32>
    %add3A_221 = arith.addf %broadcast_in_dim3A_204, %sub3A_220 : vector<23x1xf32>
    %jit3A_222 = arith.constant 1.500000e+01 : f32
    %broadcast_in_dim3A_223 = vector.broadcast %jit3A_222 : f32 to vector<23x1xf32>
    %select_n3A_224 = arith.select %lt3A_191, %add3A_221, %broadcast_in_dim3A_223 : vector<23x1xi1>, vector<23x1xf32>
    %mul3A_225 = arith.constant 2.560000e+02 : f32
    %mul3A_226 = vector.broadcast %mul3A_225 : f32 to vector<23x1xf32>
    %mul3A_227 = arith.mulf %select_n3A_224, %mul3A_226 : vector<23x1xf32>
    %sub3A_228 = arith.subf %broadcast_in_dim3A_214, %mul3A_227 : vector<23x1xf32>
    %jit3A_229 = arith.constant 0.000000e+00 : f32
    %jit3A_230 = arith.constant 2.560000e+02 : f32
    %max3A = vector.broadcast %jit3A_229 : f32 to vector<23x1xf32>
    %max3A_231 = arith.maximumf %max3A, %sub3A_228 : vector<23x1xf32>
    %min3A_232 = vector.broadcast %jit3A_230 : f32 to vector<23x1xf32>
    %min3A_233 = arith.minimumf %min3A_232, %max3A_231 : vector<23x1xf32>
    %jit3A_234 = arith.constant 0.000000e+00 : f32
    %broadcast_in_dim3A_235 = vector.broadcast %jit3A_234 : f32 to vector<23x1xf32>
    %select_n3A_236 = arith.select %lt3A_191, %min3A_233, %broadcast_in_dim3A_235 : vector<23x1xi1>, vector<23x1xf32>
    %mul3A_237 = arith.constant 2.560000e+02 : f32
    %mul3A_238 = vector.broadcast %mul3A_237 : f32 to vector<23x1xf32>
    %mul3A_239 = arith.mulf %select_n3A_224, %mul3A_238 : vector<23x1xf32>
    %sub3A_240 = arith.subf %broadcast_in_dim3A_219, %mul3A_239 : vector<23x1xf32>
    %jit3A_241 = arith.constant 0.000000e+00 : f32
    %jit3A_242 = arith.constant 2.560000e+02 : f32
    %max3A_243 = vector.broadcast %jit3A_241 : f32 to vector<23x1xf32>
    %max3A_244 = arith.maximumf %max3A_243, %sub3A_240 : vector<23x1xf32>
    %min3A_245 = vector.broadcast %jit3A_242 : f32 to vector<23x1xf32>
    %min3A_246 = arith.minimumf %min3A_245, %max3A_244 : vector<23x1xf32>
    %jit3A_247 = arith.constant 0.000000e+00 : f32
    %broadcast_in_dim3A_248 = vector.broadcast %jit3A_247 : f32 to vector<23x1xf32>
    %select_n3A_249 = arith.select %lt3A_191, %min3A_246, %broadcast_in_dim3A_248 : vector<23x1xi1>, vector<23x1xf32>
    %broadcast_in_dim3A_250 = arith.constant 0.000000e+00 : f32
    %broadcast_in_dim3A_251 = vector.broadcast %broadcast_in_dim3A_250 : f32 to vector<23x1xf32>
    %concatenate3A_252 = tpu.concatenate %select_n3A_224, %min3A_193, %select_n3A_236, %select_n3A_249, %broadcast_in_dim3A_251, %broadcast_in_dim3A_251, %broadcast_in_dim3A_251, %broadcast_in_dim3A_251 in 1 : vector<23x1xf32>, vector<23x1xf32>, vector<23x1xf32>, vector<23x1xf32>, vector<23x1xf32>, vector<23x1xf32>, vector<23x1xf32>, vector<23x1xf32> -> vector<23x8xf32>
    %convert_element_type3A_253 = arith.fptosi %concatenate3A_252 : vector<23x8xf32> to vector<23x8xi32>
    %swap3A_254 = arith.constant 0 : index
    %swap3A_255 = arith.constant 0 : index
    %swap3A_256 = vector.load %arg4[%swap3A_254, %swap3A_255] : memref<23x8xi32, #tpu.memory_space<vmem>>, vector<23x8xi32>
    tpu.vector_store %arg4[%swap3A_254, %swap3A_255], %convert_element_type3A_253 {strides = array<i32>} : memref<23x8xi32, #tpu.memory_space<vmem>>, vector<23x8xi32>,
    return
  }
}

module attributes {stable_mosaic.version = 14 : i64} {
  func.func @_gmm_body(%arg0: i32, %arg1: memref<23x8xi32, #tpu.memory_space<smem>>, %arg2: memref<256x768xbf16, #tpu.memory_space<vmem>>, %arg3: memref<1x768x2048xbf16, #tpu.memory_space<vmem>>, %arg4: memref<1x1x2048xf32, #tpu.memory_space<vmem>>, %arg5: memref<1x2048x768xbf16, #tpu.memory_space<vmem>>, %arg6: memref<1x1x768xf32, #tpu.memory_space<vmem>>, %arg7: memref<256x768xf32, #tpu.memory_space<vmem>>) attributes {dimension_semantics = [#tpu.dimension_semantics<arbitrary>], iteration_bounds = array<i64: 23>, scalar_prefetch = 1 : i64, scratch_operands = 0 : i64, tpu.core_type = #tpu.core_type<tc>, window_params = [{transform_indices = @transform_0, window_bounds = array<i64: 256, 768>}, {transform_indices = @transform_1, window_bounds = array<i64: 1, 768, 2048>}, {transform_indices = @transform_2, window_bounds = array<i64: 1, 1, 2048>}, {transform_indices = @transform_3, window_bounds = array<i64: 1, 2048, 768>}, {transform_indices = @transform_4, window_bounds = array<i64: 1, 1, 768>}, {transform_indices = @transform_5, window_bounds = array<i64: 256, 768>}]} {
    %get3A = arith.index_cast %arg0 : i32 to index
    %get3A_0 = arith.constant 0 : index
    %get3A_1 = memref.load %arg1[%get3A, %get3A_0] : memref<23x8xi32, #tpu.memory_space<smem>>
    %get3A_2 = arith.index_cast %arg0 : i32 to index
    %get3A_3 = arith.constant 2 : index
    %get3A_4 = memref.load %arg1[%get3A_2, %get3A_3] : memref<23x8xi32, #tpu.memory_space<smem>>
    %get3A_5 = arith.index_cast %arg0 : i32 to index
    %get3A_6 = arith.constant 3 : index
    %get3A_7 = memref.load %arg1[%get3A_5, %get3A_6] : memref<23x8xi32, #tpu.memory_space<smem>>
    %sub3A = arith.constant 1 : i32
    %sub3A_8 = arith.subi %arg0, %sub3A : i32
    %max3A = arith.constant 0 : i32
    %max3A_9 = arith.maxsi %sub3A_8, %max3A : i32
    %get3A_10 = arith.index_cast %max3A_9 : i32 to index
    %get3A_11 = arith.constant 0 : index
    %get3A_12 = memref.load %arg1[%get3A_10, %get3A_11] : memref<23x8xi32, #tpu.memory_space<smem>>
    %eq3A = arith.constant 0 : i32
    %eq3A_13 = arith.cmpi eq, %arg0, %eq3A : i32
    %ne3A = arith.cmpi ne, %get3A_12, %get3A_1 : i32
    %or3A = arith.ori %eq3A_13, %ne3A : i1
    %convert_element_type3A = arith.extui %or3A : i1 to i32
    %cond3A = arith.constant 0 : i32
    %cond3A_14 = arith.cmpi ne, %convert_element_type3A, %cond3A : i32
    scf.if %cond3A_14 {
      %broadcast_in_dim3A = arith.constant 0.000000e+00 : f32
      %broadcast_in_dim3A_18 = vector.broadcast %broadcast_in_dim3A : f32 to vector<256x768xf32>
      %swap3A = arith.constant 0 : index
      %swap3A_19 = arith.constant 0 : index
      %swap3A_20 = vector.load %arg7[%swap3A, %swap3A_19] : memref<256x768xf32, #tpu.memory_space<vmem>>, vector<256x768xf32>
      tpu.vector_store %arg7[%swap3A, %swap3A_19], %broadcast_in_dim3A_18 {strides = array<i32>} : memref<256x768xf32, #tpu.memory_space<vmem>>, vector<256x768xf32>,
    } else {
    }
    %gt3A = arith.cmpi sgt, %get3A_7, %get3A_4 : i32
    %convert_element_type3A_15 = arith.extui %gt3A : i1 to i32
    %cond3A_16 = arith.constant 0 : i32
    %cond3A_17 = arith.cmpi ne, %convert_element_type3A_15, %cond3A_16 : i32
    scf.if %cond3A_17 {
      %get3A_18 = arith.constant 0 : index
      %get3A_19 = arith.constant 0 : index
      %get3A_20 = vector.load %arg2[%get3A_18, %get3A_19] : memref<256x768xbf16, #tpu.memory_space<vmem>>, vector<256x768xbf16>
      %get3A_21 = arith.constant 0 : index
      %get3A_22 = arith.constant 0 : index
      %get3A_23 = arith.constant 0 : index
      %get3A_24 = vector.load %arg3[%get3A_21, %get3A_22, %get3A_23] : memref<1x768x2048xbf16, #tpu.memory_space<vmem>>, vector<1x768x2048xbf16>
      %reshape3A = vector.shape_cast %get3A_24 : vector<1x768x2048xbf16> to vector<768x2048xbf16>
      %get3A_25 = arith.constant 0 : index
      %get3A_26 = arith.constant 0 : index
      %get3A_27 = arith.constant 0 : index
      %get3A_28 = vector.load %arg5[%get3A_25, %get3A_26, %get3A_27] : memref<1x2048x768xbf16, #tpu.memory_space<vmem>>, vector<1x2048x768xbf16>
      %reshape3A_29 = vector.shape_cast %get3A_28 : vector<1x2048x768xbf16> to vector<2048x768xbf16>
      %dot_general3A = arith.constant dense<0.000000e+00> : vector<256x2048xf32>
      %dot_general3A_30 = tpu.matmul %get3A_20, %reshape3A, %dot_general3A {dimension_numbers = #tpu.dot_dimension_numbers<[1], [0], [0], [1], [0, 0, 1, 1], [], []>, transpose_lhs_hint = false} : vector<256x768xbf16>, vector<768x2048xbf16>, vector<256x2048xf32> -> vector<256x2048xf32>
      %get3A_31 = arith.constant 0 : index
      %get3A_32 = arith.constant 0 : index
      %get3A_33 = arith.constant 0 : index
      %get3A_34 = vector.load %arg4[%get3A_31, %get3A_32, %get3A_33] : memref<1x1x2048xf32, #tpu.memory_space<vmem>>, vector<1x1x2048xf32>
      %reshape3A_35 = vector.shape_cast %get3A_34 : vector<1x1x2048xf32> to vector<1x2048xf32>
      %add3A = vector.broadcast %reshape3A_35 : vector<1x2048xf32> to vector<256x2048xf32>
      %add3A_36 = arith.addf %dot_general3A_30, %add3A : vector<256x2048xf32>
      %mul3A = arith.constant 5.000000e-01 : f32
      %mul3A_37 = vector.broadcast %mul3A : f32 to vector<256x2048xf32>
      %mul3A_38 = arith.mulf %add3A_36, %mul3A_37 : vector<256x2048xf32>
      %mul3A_39 = arith.constant 0.707106769 : f32
      %mul3A_40 = vector.broadcast %mul3A_39 : f32 to vector<256x2048xf32>
      %mul3A_41 = arith.mulf %add3A_36, %mul3A_40 : vector<256x2048xf32>
      %erf3A = math.erf %mul3A_41 : vector<256x2048xf32>
      %add3A_42 = arith.constant 1.000000e+00 : f32
      %add3A_43 = vector.broadcast %add3A_42 : f32 to vector<256x2048xf32>
      %add3A_44 = arith.addf %add3A_43, %erf3A : vector<256x2048xf32>
      %mul3A_45 = arith.mulf %mul3A_38, %add3A_44 : vector<256x2048xf32>
      %dot_general3A_46 = arith.constant dense<0.000000e+00> : vector<256x768xf32>
      %dot_general3A_47 = tpu.matmul %mul3A_45, %reshape3A_29, %dot_general3A_46 {dimension_numbers = #tpu.dot_dimension_numbers<[1], [0], [0], [1], [0, 0, 1, 1], [], []>, transpose_lhs_hint = false} : vector<256x2048xf32>, vector<2048x768xbf16>, vector<256x768xf32> -> vector<256x768xf32>
      %get3A_48 = arith.constant 0 : index
      %get3A_49 = arith.constant 0 : index
      %get3A_50 = arith.constant 0 : index
      %get3A_51 = vector.load %arg6[%get3A_48, %get3A_49, %get3A_50] : memref<1x1x768xf32, #tpu.memory_space<vmem>>, vector<1x1x768xf32>
      %reshape3A_52 = vector.shape_cast %get3A_51 : vector<1x1x768xf32> to vector<1x768xf32>
      %add3A_53 = vector.broadcast %reshape3A_52 : vector<1x768xf32> to vector<256x768xf32>
      %add3A_54 = arith.addf %dot_general3A_47, %add3A_53 : vector<256x768xf32>
      %iota3A = tpu.iota {dimensions = array<i32: 0>} : vector<256x1xi32>
      %ge3A = vector.broadcast %get3A_4 : i32 to vector<256x1xi32>
      %ge3A_55 = arith.cmpi sge, %iota3A, %ge3A : vector<256x1xi32>
      %lt3A = vector.broadcast %get3A_7 : i32 to vector<256x1xi32>
      %lt3A_56 = arith.cmpi slt, %iota3A, %lt3A : vector<256x1xi32>
      %and3A = arith.andi %ge3A_55, %lt3A_56 : vector<256x1xi1>
      %get3A_57 = arith.constant 0 : index
      %get3A_58 = arith.constant 0 : index
      %get3A_59 = vector.load %arg7[%get3A_57, %get3A_58] : memref<256x768xf32, #tpu.memory_space<vmem>>, vector<256x768xf32>
      %jit3A = arith.constant 0.000000e+00 : f32
      %broadcast_in_dim3A = vector.shape_cast %and3A : vector<256x1xi1> to vector<256x1xi1>
      %broadcast_in_dim3A_60 = vector.broadcast %broadcast_in_dim3A : vector<256x1xi1> to vector<256x768xi1>
      %broadcast_in_dim3A_61 = vector.broadcast %jit3A : f32 to vector<256x768xf32>
      %select_n3A = arith.select %broadcast_in_dim3A_60, %add3A_54, %broadcast_in_dim3A_61 : vector<256x768xi1>, vector<256x768xf32>
      %add3A_62 = arith.addf %get3A_59, %select_n3A : vector<256x768xf32>
      %swap3A = arith.constant 0 : index
      %swap3A_63 = arith.constant 0 : index
      %swap3A_64 = vector.load %arg7[%swap3A, %swap3A_63] : memref<256x768xf32, #tpu.memory_space<vmem>>, vector<256x768xf32>
      tpu.vector_store %arg7[%swap3A, %swap3A_63], %add3A_62 {strides = array<i32>} : memref<256x768xf32, #tpu.memory_space<vmem>>, vector<256x768xf32>,
    } else {
    }
    return
  }
  func.func @transform_0(%arg0: i32, %arg1: memref<23x8xi32, #tpu.memory_space<smem>>) -> (i32, i32) {
    %get3A = arith.index_cast %arg0 : i32 to index
    %get3A_0 = arith.constant 0 : index
    %get3A_1 = memref.load %arg1[%get3A, %get3A_0] : memref<23x8xi32, #tpu.memory_space<smem>>
    %c0_i32 = arith.constant 0 : i32
    %c0_i32_2 = arith.constant 0 : i32
    return %get3A_1, %c0_i32 : i32, i32
  }
  func.func @transform_1(%arg0: i32, %arg1: memref<23x8xi32, #tpu.memory_space<smem>>) -> (i32, i32, i32) {
    %get3A = arith.index_cast %arg0 : i32 to index
    %get3A_0 = arith.constant 1 : index
    %get3A_1 = memref.load %arg1[%get3A, %get3A_0] : memref<23x8xi32, #tpu.memory_space<smem>>
    %c0_i32 = arith.constant 0 : i32
    %c0_i32_2 = arith.constant 0 : i32
    %c0_i32_3 = arith.constant 0 : i32
    return %get3A_1, %c0_i32, %c0_i32_2 : i32, i32, i32
  }
  func.func @transform_2(%arg0: i32, %arg1: memref<23x8xi32, #tpu.memory_space<smem>>) -> (i32, i32, i32) {
    %get3A = arith.index_cast %arg0 : i32 to index
    %get3A_0 = arith.constant 1 : index
    %get3A_1 = memref.load %arg1[%get3A, %get3A_0] : memref<23x8xi32, #tpu.memory_space<smem>>
    %c0_i32 = arith.constant 0 : i32
    %c0_i32_2 = arith.constant 0 : i32
    %c0_i32_3 = arith.constant 0 : i32
    return %get3A_1, %c0_i32, %c0_i32_2 : i32, i32, i32
  }
  func.func @transform_3(%arg0: i32, %arg1: memref<23x8xi32, #tpu.memory_space<smem>>) -> (i32, i32, i32) {
    %get3A = arith.index_cast %arg0 : i32 to index
    %get3A_0 = arith.constant 1 : index
    %get3A_1 = memref.load %arg1[%get3A, %get3A_0] : memref<23x8xi32, #tpu.memory_space<smem>>
    %c0_i32 = arith.constant 0 : i32
    %c0_i32_2 = arith.constant 0 : i32
    %c0_i32_3 = arith.constant 0 : i32
    return %get3A_1, %c0_i32, %c0_i32_2 : i32, i32, i32
  }
  func.func @transform_4(%arg0: i32, %arg1: memref<23x8xi32, #tpu.memory_space<smem>>) -> (i32, i32, i32) {
    %get3A = arith.index_cast %arg0 : i32 to index
    %get3A_0 = arith.constant 1 : index
    %get3A_1 = memref.load %arg1[%get3A, %get3A_0] : memref<23x8xi32, #tpu.memory_space<smem>>
    %c0_i32 = arith.constant 0 : i32
    %c0_i32_2 = arith.constant 0 : i32
    %c0_i32_3 = arith.constant 0 : i32
    return %get3A_1, %c0_i32, %c0_i32_2 : i32, i32, i32
  }
  func.func @transform_5(%arg0: i32, %arg1: memref<23x8xi32, #tpu.memory_space<smem>>) -> (i32, i32) {
    %get3A = arith.index_cast %arg0 : i32 to index
    %get3A_0 = arith.constant 0 : index
    %get3A_1 = memref.load %arg1[%get3A, %get3A_0] : memref<23x8xi32, #tpu.memory_space<smem>>
    %c0_i32 = arith.constant 0 : i32
    %c0_i32_2 = arith.constant 0 : i32
    return %get3A_1, %c0_i32 : i32, i32
  }
}

module attributes {stable_mosaic.version = 14 : i64} {
  func.func @_ln2_body(%arg0: i32, %arg1: memref<512x768xf32, #tpu.memory_space<vmem>>, %arg2: memref<512x768xf32, #tpu.memory_space<vmem>>, %arg3: memref<512x768xf32, #tpu.memory_space<vmem>>, %arg4: memref<512x2xf32, #tpu.memory_space<vmem>>, %arg5: memref<1x768xf32, #tpu.memory_space<vmem>>, %arg6: memref<1x768xf32, #tpu.memory_space<vmem>>, %arg7: memref<512x768xf32, #tpu.memory_space<vmem>>) attributes {dimension_semantics = [#tpu.dimension_semantics<arbitrary>], iteration_bounds = array<i64: 4>, scalar_prefetch = 0 : i64, scratch_operands = 0 : i64, tpu.core_type = #tpu.core_type<tc>, window_params = [{transform_indices = @transform_0, window_bounds = array<i64: 512, 768>}, {transform_indices = @transform_1, window_bounds = array<i64: 512, 768>}, {transform_indices = @transform_2, window_bounds = array<i64: 512, 768>}, {transform_indices = @transform_3, window_bounds = array<i64: 512, 2>}, {pipeline_mode = #tpu.pipeline_mode<synchronous>, transform_indices = @transform_4, window_bounds = array<i64: 1, 768>}, {pipeline_mode = #tpu.pipeline_mode<synchronous>, transform_indices = @transform_5, window_bounds = array<i64: 1, 768>}, {transform_indices = @transform_6, window_bounds = array<i64: 512, 768>}]} {
    %get3A = arith.constant 0 : index
    %get3A_0 = arith.constant 0 : index
    %get3A_1 = vector.load %arg4[%get3A, %get3A_0] : memref<512x2xf32, #tpu.memory_space<vmem>>, vector<512x2xf32>
    %slice3A = vector.extract_strided_slice %get3A_1 {offsets = [0, 0], sizes = [512, 1], strides = [1, 1]} : vector<512x2xf32> to vector<512x1xf32>
    %get3A_2 = arith.constant 0 : index
    %get3A_3 = arith.constant 0 : index
    %get3A_4 = vector.load %arg2[%get3A_2, %get3A_3] : memref<512x768xf32, #tpu.memory_space<vmem>>, vector<512x768xf32>
    %mul3A = vector.broadcast %slice3A : vector<512x1xf32> to vector<512x768xf32>
    %mul3A_5 = arith.mulf %mul3A, %get3A_4 : vector<512x768xf32>
    %slice3A_6 = vector.extract_strided_slice %get3A_1 {offsets = [0, 1], sizes = [512, 1], strides = [1, 1]} : vector<512x2xf32> to vector<512x1xf32>
    %get3A_7 = arith.constant 0 : index
    %get3A_8 = arith.constant 0 : index
    %get3A_9 = vector.load %arg3[%get3A_7, %get3A_8] : memref<512x768xf32, #tpu.memory_space<vmem>>, vector<512x768xf32>
    %mul3A_10 = vector.broadcast %slice3A_6 : vector<512x1xf32> to vector<512x768xf32>
    %mul3A_11 = arith.mulf %mul3A_10, %get3A_9 : vector<512x768xf32>
    %add3A = arith.addf %mul3A_5, %mul3A_11 : vector<512x768xf32>
    %reduce_sum3A = arith.constant dense<0.000000e+00> : vector<512xf32>
    %reduce_sum3A_12 = vector.multi_reduction <add>, %add3A, %reduce_sum3A [1] : vector<512x768xf32> to vector<512xf32>
    %broadcast_in_dim3A = vector.shape_cast %reduce_sum3A_12 : vector<512xf32> to vector<512x1xf32>
    %mul3A_13 = arith.constant 0.00130208337 : f32
    %mul3A_14 = vector.broadcast %mul3A_13 : f32 to vector<512x1xf32>
    %mul3A_15 = arith.mulf %broadcast_in_dim3A, %mul3A_14 : vector<512x1xf32>
    %sub3A = vector.broadcast %mul3A_15 : vector<512x1xf32> to vector<512x768xf32>
    %sub3A_16 = arith.subf %add3A, %sub3A : vector<512x768xf32>
    %integer_pow3A = arith.mulf %sub3A_16, %sub3A_16 : vector<512x768xf32>
    %reduce_sum3A_17 = arith.constant dense<0.000000e+00> : vector<512xf32>
    %reduce_sum3A_18 = vector.multi_reduction <add>, %integer_pow3A, %reduce_sum3A_17 [1] : vector<512x768xf32> to vector<512xf32>
    %broadcast_in_dim3A_19 = vector.shape_cast %reduce_sum3A_18 : vector<512xf32> to vector<512x1xf32>
    %mul3A_20 = arith.constant 0.00130208337 : f32
    %mul3A_21 = vector.broadcast %mul3A_20 : f32 to vector<512x1xf32>
    %mul3A_22 = arith.mulf %broadcast_in_dim3A_19, %mul3A_21 : vector<512x1xf32>
    %sub3A_23 = vector.broadcast %mul3A_15 : vector<512x1xf32> to vector<512x768xf32>
    %sub3A_24 = arith.subf %add3A, %sub3A_23 : vector<512x768xf32>
    %add3A_25 = arith.constant 9.99999974E-6 : f32
    %add3A_26 = vector.broadcast %add3A_25 : f32 to vector<512x1xf32>
    %add3A_27 = arith.addf %mul3A_22, %add3A_26 : vector<512x1xf32>
    %sqrt3A = math.sqrt %add3A_27 : vector<512x1xf32>
    %div3A = vector.broadcast %sqrt3A : vector<512x1xf32> to vector<512x768xf32>
    %div3A_28 = arith.divf %sub3A_24, %div3A : vector<512x768xf32>
    %get3A_29 = arith.constant 0 : index
    %get3A_30 = arith.constant 0 : index
    %get3A_31 = vector.load %arg5[%get3A_29, %get3A_30] : memref<1x768xf32, #tpu.memory_space<vmem>>, vector<1x768xf32>
    %mul3A_32 = vector.broadcast %get3A_31 : vector<1x768xf32> to vector<512x768xf32>
    %mul3A_33 = arith.mulf %div3A_28, %mul3A_32 : vector<512x768xf32>
    %get3A_34 = arith.constant 0 : index
    %get3A_35 = arith.constant 0 : index
    %get3A_36 = vector.load %arg6[%get3A_34, %get3A_35] : memref<1x768xf32, #tpu.memory_space<vmem>>, vector<1x768xf32>
    %add3A_37 = vector.broadcast %get3A_36 : vector<1x768xf32> to vector<512x768xf32>
    %add3A_38 = arith.addf %mul3A_33, %add3A_37 : vector<512x768xf32>
    %get3A_39 = arith.constant 0 : index
    %get3A_40 = arith.constant 0 : index
    %get3A_41 = vector.load %arg1[%get3A_39, %get3A_40] : memref<512x768xf32, #tpu.memory_space<vmem>>, vector<512x768xf32>
    %add3A_42 = arith.addf %get3A_41, %add3A_38 : vector<512x768xf32>
    %swap3A = arith.constant 0 : index
    %swap3A_43 = arith.constant 0 : index
    %swap3A_44 = vector.load %arg7[%swap3A, %swap3A_43] : memref<512x768xf32, #tpu.memory_space<vmem>>, vector<512x768xf32>
    tpu.vector_store %arg7[%swap3A, %swap3A_43], %add3A_42 {strides = array<i32>} : memref<512x768xf32, #tpu.memory_space<vmem>>, vector<512x768xf32>,
    return
  }
  func.func @transform_0(%arg0: i32) -> (i32, i32) {
    %c0_i32 = arith.constant 0 : i32
    %c0_i32_0 = arith.constant 0 : i32
    return %arg0, %c0_i32 : i32, i32
  }
  func.func @transform_1(%arg0: i32) -> (i32, i32) {
    %c0_i32 = arith.constant 0 : i32
    %c0_i32_0 = arith.constant 0 : i32
    return %arg0, %c0_i32 : i32, i32
  }
  func.func @transform_2(%arg0: i32) -> (i32, i32) {
    %c0_i32 = arith.constant 0 : i32
    %c0_i32_0 = arith.constant 0 : i32
    return %arg0, %c0_i32 : i32, i32
  }
  func.func @transform_3(%arg0: i32) -> (i32, i32) {
    %c0_i32 = arith.constant 0 : i32
    %c0_i32_0 = arith.constant 0 : i32
    return %arg0, %c0_i32 : i32, i32
  }
  func.func @transform_4(%arg0: i32) -> (i32, i32) {
    %c0_i32 = arith.constant 0 : i32
    %c0_i32_0 = arith.constant 0 : i32
    %c0_i32_1 = arith.constant 0 : i32
    return %c0_i32, %c0_i32_0 : i32, i32
  }
  func.func @transform_5(%arg0: i32) -> (i32, i32) {
    %c0_i32 = arith.constant 0 : i32
    %c0_i32_0 = arith.constant 0 : i32
    %c0_i32_1 = arith.constant 0 : i32
    return %c0_i32, %c0_i32_0 : i32, i32
  }
  func.func @transform_6(%arg0: i32) -> (i32, i32) {
    %c0_i32 = arith.constant 0 : i32
    %c0_i32_0 = arith.constant 0 : i32
    return %arg0, %c0_i32 : i32, i32
  }
}

</mosaic_0001>

<sc_bundles>
// kernel: kernel.10.cloned.1.call-start
scs
__scs_entry_jumppad:
0x0: {  	(pc) =	sbr.rel $0x88, $3  }
0x1: {  	(tag) =	ssettag $0x0;
	lr =	simm.s32 $0x1  }
0x2: {  	[smem:$0x3F8E] =	sst lr;
	_ =	strace $0xD0000000  }
0x3: {  	_ = 	snop  }
0x4: {  	_ = 	snop  }
0x5: {  	_ = 	snop  }
0x6: {  	_ = 	snop  }
0x7: {  	_ = 	snop  }
__scs_overlays_trampoline_lowered:
0x8: {  	[smem:$0x3F9D] =	sst s0  }
0x9: {  	[smem:$0x3F9E] =	sst s1  }
0xa: {  	[smem:$0x3F9F] =	sst s2  }
0xb: {  	[smem:$0x3FA0] =	sst s3  }
0xc: {  	[smem:$0x3FA1] =	sst s4  }
0xd: {  	[smem:$0x3FA2] =	sst s5  }
0xe: {  	[smem:$0x3FA3] =	sst s6  }
0xf: {  	[smem:$0x3FA4] =	sst s7  }
0x10: {  	[smem:$0x3FA5] =	sst s8  }
0x11: {  	[smem:$0x3FA6] =	sst s9;
	s0 =	simm.s32 @!p0 $0x0  }
0x12: {  	s1 =	sld [smem:$0x3F8C];
	s0 =	simm.s32 @p0 $0x1  }
0x13: {  	[smem:$0x3FA7] =	sst s0;
	s0 =	simm.s32 @!p1 $0x0  }
0x14: {  	s2 =	sld [smem:$0x3F8B];
	s0 =	simm.s32 @p1 $0x1  }
0x15: {  	[smem:$0x3FA8] =	sst s0;
	s0 =	simm.s32 @!p2 $0x0  }
0x16: {  	s3 =	sld [smem:$0x3FDB];
	s0 =	simm.s32 @p2 $0x1  }
0x17: {  	s4 =	simm.s32 $0x1BF5;
	[smem:$0x3FAA] =	sst s0  }
0x18: {  	s0 =	sld [smem:$0x3F8D];
	_ =	swait.ge [sflag:s4], $0x0  }
0x19: {  	s7 =	sld [smem:$0x3F8E]  }
0x1a: {  	s8 =	sadd.s32 $0xFFFFE003, lr  }
0x1b: {  	s9 =	sadd.s32 $0xFFFFFEF7, lr;
	s5 =	simm.s32 $0xFFFFFFFF;
	p2 =	slt.u32 s8, $0xFFFFF086  }
0x1c: {  	p1 =	slt.u32 s9, $0xF7A;
	s5 =	simm.s32 @!p2 $0x0  }
0x1d: {  	s5 =	simm.s32 @p1 $0x1;
	p0 =	seq.s32 s7, s2  }
0x1e: {  	s7 =	smul.u32 @!p0 $0xF7A, s2;
	p2 =	seq.s32 @!p0 s5, $0x0  }
0x1f: {  	s9 =	smul.u32 $0xF7A, s1;
	s8 =	simm.s32 @!p0 $0x1BF5;
	p2 =	por !p2, p0  }
0x20: {  	[sflag:s8] =	ssyncset.s32 @!p0 $0xFFFFF086;
	s6 =	sadd.s32 @!p0 s3, s7;
	s7 =	simm.s32 @!p0 $0x108  }
0x21: {  	s3 =	sadd.s32 s3, s9;
	s6 =	sadd.s32 @!p0 $0x88, s6;
	s7 =	simm.s32 @p2 $0x1082  }
0x22: {  	[simem:s7], [sflag:s8] =	dma.local @!p0 [hbm:s6], $0xF7A  }
0x23: {  	s9 =	sor.u32 $0xD0000000, s2;
	s6 =	simm.s32 $0x108;
	_ =	swait.ge @!p0 [sflag:s8], $0x0  }
0x24: {  	s3 =	sadd.s32 $0x88, s3;
	s6 =	simm.s32 @!p1 $0x1082;
	[sflag:s4] =	ssyncset.s32 $0xFFFFF086  }
0x25: {  	[simem:s6], [sflag:s4] =	dma.local [hbm:s3], $0xF7A  }
0x26: {  	[smem:$0x3F8E] =	sst s1;
	(tag) =	ssettag s2;
	_ =	strace s9  }
0x27: {  	s1 =	sld [smem:$0x3F9E]  }
0x28: {  	s2 =	sld [smem:$0x3F9F]  }
0x29: {  	s4 =	sld [smem:$0x3FA1]  }
0x2a: {  	p0 =	seq.s32 s5, $0x0;
	s5 =	sld [smem:$0x3FA2]  }
0x2b: {  	s6 =	sld [smem:$0x3FA3]  }
0x2c: {  	s7 =	sld [smem:$0x3FA4]  }
0x2d: {  	s3 =	simm.s32 $0x108;
	s8 =	sld [smem:$0x3FA5]  }
0x2e: {  	s3 =	simm.s32 @!p0 $0x1082;
	s9 =	sld [smem:$0x3FA6]  }
0x2f: {  	lr =	sadd.s32 s0, s3;
	s0 =	sld [smem:$0x3F9D]  }
0x30: {  	s3 =	sld [smem:$0x3FA0]  }
0x31: {  	[smem:$0x3FA9] =	sst s10  }
0x32: {  	s10 =	sld [smem:$0x3FA7];
	_ =	sdelay $0x3  }
0x33: {  	p0 =	seq.s32 s10, $0x1;
	s10 =	sld [smem:$0x3FA9];
	_ =	sdelay $0x3  }
0x34: {  	[smem:$0x3FA9] =	sst s10  }
0x35: {  	s10 =	sld [smem:$0x3FA8];
	_ =	sdelay $0x3  }
0x36: {  	p1 =	seq.s32 s10, $0x1;
	s10 =	sld [smem:$0x3FA9];
	_ =	sdelay $0x3  }
0x37: {  	[smem:$0x3FA9] =	sst s10  }
0x38: {  	s10 =	sld [smem:$0x3FAA]  }
0x39: {  	_ = 	snop;
	(pc) =	sbr.ind lr, $3  }
0x3a: {  	_ = 	snop  }
0x3b: {  	_ = 	snop  }
0x3c: {  	p2 =	seq.s32 s10, $0x1;
	s10 =	sld [smem:$0x3FA9]  }
0x3d: {  	_ =	shalt  }
0x3e: {  	_ =	shalt  }
0x3f: {  	_ =	shalt  }
0x40: {  	_ =	shalt  }
0x41: {  	_ =	shalt  }
0x42: {  	_ =	shalt  }
0x43: {  	_ =	shalt  }
0x44: {  	_ =	shalt  }
0x45: {  	_ =	shalt  }
0x46: {  	_ =	shalt  }
0x47: {  	_ =	shalt  }
0x48: {  	_ =	shalt  }
0x49: {  	_ =	shalt  }
0x4a: {  	_ =	shalt  }
0x4b: {  	_ =	shalt  }
0x4c: {  	_ =	shalt  }
0x4d: {  	_ =	shalt  }
0x4e: {  	_ =	shalt  }
0x4f: {  	_ =	shalt  }
0x50: {  	_ =	shalt  }
0x51: {  	_ =	shalt  }
0x52: {  	_ =	shalt  }
0x53: {  	_ =	shalt  }
0x54: {  	_ =	shalt  }
0x55: {  	_ =	shalt  }
0x56: {  	_ =	shalt  }
0x57: {  	_ =	shalt  }
0x58: {  	_ =	shalt  }
0x59: {  	_ =	shalt  }
0x5a: {  	_ =	shalt  }
0x5b: {  	_ =	shalt  }
0x5c: {  	_ =	shalt  }
0x5d: {  	_ =	shalt  }
0x5e: {  	_ =	shalt  }
0x5f: {  	_ =	shalt  }
0x60: {  	_ =	shalt  }
0x61: {  	_ =	shalt  }
0x62: {  	_ =	shalt  }
0x63: {  	_ =	shalt  }
0x64: {  	_ =	shalt  }
0x65: {  	_ =	shalt  }
0x66: {  	_ =	shalt  }
0x67: {  	_ =	shalt  }
0x68: {  	_ =	shalt  }
0x69: {  	_ =	shalt  }
0x6a: {  	_ =	shalt  }
0x6b: {  	_ =	shalt  }
0x6c: {  	_ =	shalt  }
0x6d: {  	_ =	shalt  }
0x6e: {  	_ =	shalt  }
0x6f: {  	_ =	shalt  }
0x70: {  	_ =	shalt  }
0x71: {  	_ =	shalt  }
0x72: {  	_ =	shalt  }
0x73: {  	_ =	shalt  }
0x74: {  	_ =	shalt  }
0x75: {  	_ =	shalt  }
0x76: {  	_ =	shalt  }
0x77: {  	_ =	shalt  }
0x78: {  	_ =	shalt  }
0x79: {  	_ =	shalt  }
0x7a: {  	_ =	shalt  }
0x7b: {  	_ =	shalt  }
0x7c: {  	_ =	shalt  }
0x7d: {  	_ =	shalt  }
0x7e: {  	_ =	shalt  }
0x7f: {  	_ =	shalt  }
0x80: {  	_ =	shalt  }
0x81: {  	_ =	shalt  }
0x82: {  	_ =	shalt  }
0x83: {  	_ =	shalt  }
0x84: {  	_ =	shalt  }
0x85: {  	_ =	shalt  }
0x86: {  	_ =	shalt  }
0x87: {  	_ =	shalt  }
.Lfunc_end0:
.L_simem_size_0:
called_computation_lowered:
.L_overlay_start_0:
0x88: {  	s2 =	sld [smem:$0x3FD9]  }
0x89: {  	s3 =	sld [smem:$0x3FFE];
	_ =	sdelay $0x1  }
0x8a: {  	s1 =	srdreg.scid  }
0x8b: {  	s0 =	sand.u32 $0x1, s1  }
0x8c: {  	s16 =	sshll.u32 s0, $0xA;
	s2 =	sadd.s32 s3, s2  }
0x8d: {  	s2 =	sadd.s32 s2, s16  }
0x8e: {  	[smem:$0x3FB5] =	sst s2  }
0x8f: {  	_ = 	snop  }
0x90: {  	(tm) =	ssettm $0x1  }
0x91: {  	s17 =	sld [smem:$0x3FFB];
	_ =	sdelay $0x3  }
0x92: {  	_ =	strace s17  }
0x93: {  	s2 =	sld [smem:$0x3FFC];
	_ =	sdelay $0x3  }
0x94: {  	_ =	strace s2  }
0x95: {  	s2 =	sld [smem:$0x3FFD];
	_ =	sdelay $0x3  }
0x96: {  	_ =	strace s2  }
0x97: {  	_ =	strace $0x8FFFFFFF  }
0x98: {  	s18 =	sld [smem:$0x3FDB];
	_ =	sdelay $0x1  }
0x99: {  	s19 =	simm.s32 $_scs_section_size  }
0x9a: {  	s4 =	simm.s32 $_size__tile_overlayer_lowered;
	s5 =	simm.s32 $_tile_overlayer_lowered  }
0x9b: {  	s22 =	simm.s32 $0x1BFF;
	s21 =	sshll.u32 s5, $0x1;
	s2 =	sadd.s32 s19, s18  }
0x9c: {  	s6 =	simm.s32 $0x0;
	s20 =	sshll.u32 s4, $0x1;
	s4 =	sadd.s32 s21, s2  }
0x9d: {  	[timem:s6], [sflag:s22] =	dma.local [hbm:s4], s20  }
0x9e: {  	_ =	swait.ge [sflag:s22], s20  }
0x9f: {  	s3 =	ssub.s32 $0x0, s20;
	[sflag:s22] =	ssyncset.done $0x0  }
0xa0: {  	[sflag:s22] =	ssyncadd.s32 s3;
	_ =	sdelay $0x1  }
0xa1: {  	s23 =	simm.s32 $0x1B8B  }
0xa2: {  	_ =	swait.ge [sflag:s23], $0x1  }
0xa3: {  	[sflag:s23] =	ssyncset.done $0x0  }
0xa4: {  	s25 =	simm.s32 $0x1B8E;
	s24 =	sld [smem:$0x3FFE];
	[sflag:s23] =	ssyncadd.s32 $0xFFFFFFFF  }
0xa5: {  	s26 =	simm.s32 $execute0_lowered;
	[smem:$0x3FD2] =	sst s25  }
0xa6: {  	s4 =	sshll.u32 s26, $0x1;
	_ =	strace $0x80000046;
	[dreg:$0x1] =	wrdreg $0xFFFFFFFF  }
0xa7: {  	s28 =	simm.s32 $_size_execute0_lowered;
	s2 =	sadd.s32 s2, s4;
	[dreg:$0x0] =	wrdreg $0x0  }
0xa8: {  	s4 =	sshll.u32 s28, $0x1;
	[dreg:$0x2] =	wrdreg s2  }
0xa9: {  	[dreg:$0x3] =	wrdreg s4  }
0xaa: {  	[dreg:$0x4] =	wrdreg $0xC0  }
0xab: {  	_ =	task [dreg:s6], $0x5FFFF  }
0xac: {  	[dreg:$0x1] =	wrdreg $0xFFFFFFFF  }
0xad: {  	[dreg:$0x0] =	wrdreg $0x60  }
0xae: {  	[dreg:$0x2] =	wrdreg s24  }
0xaf: {  	[dreg:$0x3] =	wrdreg $0x9  }
0xb0: {  	_ =	task.clear_ibuf [dreg:s6], $0x4FFFF;
	_ =	strace $0x90000046  }
0xb1: {  	s29 =	simm.s32 $0x9;
	_ =	strace $0x80000048  }
0xb2: {  	_ =	swait.ge [sflag:s29], $0x1  }
0xb3: {  	[sflag:s29] =	ssyncadd.s32 $0xFFFFFFFF  }
0xb4: {  	_ =	strace $0x90000048  }
0xb5: {  	_ =	sfence  }
0xb6: {  	s30 =	sld [smem:$0x0];
	_ =	sdelay $0x2  }
0xb7: {  	s31 =	sshll.u32 s1, $0xD;
	s1 =	sshrl.u32 s1, $0x2  }
0xb8: {  	s3 =	sand.u32 $0x4000, s31;
	s1 =	sadd.s32 s1, s30  }
0xb9: {  	s0 =	sor.u32 s3, s0;
	s1 =	sshll.u32 s1, $0x11  }
0xba: {  	s0 =	sor.u32 s1, s0  }
0xbb: {  	s0 =	sadd.s32 $0x8F2B, s0  }
0xbc: {  	[sflag:s0] =	ssyncadd.remote.s32 $0x1  }
0xbd: {  	_ =	sfence.sel $0xFFFF  }
0xbe: {  	[dreg:$0x0] =	wrdreg $0xFFFFFFFF;
	(pc) =	sbr.abs _section_cstart, $3  }
0xbf: {  	[dreg:$0x1] =	wrdreg $0xFFFFFFFF  }
0xc0: {  	_ =	task.clear_ibuf [dreg:s6], $0x2FFFF;
	_ =	strace $0x9FFFFFFF  }
0xc1: {  	(tm) =	ssettm $0x7FFFFFFF  }
tec
execute0_lowered:
.L_overlay_start_1:
0x0: {  	(tag) =	ssettag $0x1  }
0x1: {  	s0 =	rddreg [dreg:$0x0]  }
0x2: {  	s1 =	srdreg.scid;
	s3 =	stileid.u32;
	s2 =	simm.s32 $0x0  }
0x3: {  	s26 =	simm.s32 $0x80;
	s17 =	simm.s32 $0x1;
	s20 =	simm.s32 $0xD00  }
0x4: {  	s21 =	simm.s32 $0x1500;
	s22 =	simm.s32 $0x1900;
	s23 =	simm.s32 $0x2100  }
0x5: {  	s24 =	simm.s32 $0x2500;
	s25 =	simm.s32 $0x2D00;
	s28 =	simm.s32 $0x3900  }
0x6: {  	s29 =	simm.s32 $0x3D00;
	s30 =	simm.s32 $0x4500;
	s1 =	sand.u32 $0x1, s1  }
0x7: {  	s31 =	simm.s32 $0x4900;
	s3 =	sshll.u32 s3, $0x8;
	s4 =	sshll.u32 s1, $0x7  }
0x8: {  	v6 =	vlaneseq.u32;
	s8 =	simm.s32 $0x8D00;
	[smem:$0x7FF] =	sst s2;
	s9 =	sor.u32 s4, s3  }
0x9: {  	vm0 =	vmmov $0xffff;
	_ =	strace $0x80000047;
	s1 =	ssub.s32 $0x2, s1;
	s10 =	sor.u32 $0x10, s9;
	v0 =	vor.u32 s9, v6  }
0xa: {  	vm1 =	vmmov $0xff;
	s11 =	sor.u32 $0x20, s9;
	s12 =	sor.u32 $0x30, s9;
	s13 =	sor.u32 $0x40, s9;
	v1 =	vor.u32 s10, v6;
	v0 =	vand.u32 $0x78F, v0  }
0xb: {  	[dreg:$0x3] =	wrdreg s26;
	s14 =	sor.u32 $0x50, s9;
	s15 =	sor.u32 $0x60, s9;
	v2 =	vor.u32 s11, v6;
	v4 =	vor.u32 s12, v6;
	v7 =	vor.u32 s13, v6  }
0xc: {  	s26 =	simm.s32 $0x3100;
	s6 =	sshrl.u32 s1, $0x1;
	s16 =	sor.u32 $0x70, s9;
	v8 =	vor.u32 s14, v6;
	v9 =	vor.u32 s15, v6;
	v3 =	vshrl.u32 v0, $0x3  }
0xd: {  	s3 =	sadd.s32 $0x3A00, s0;
	s4 =	sshrl.u32 s9, $0x3;
	s1 =	ssub.s32 s1, s6;
	v10 =	vor.u32 s16, v6;
	v1 =	vand.u32 $0x79F, v1;
	v5 =	vmul.u32 $0x18, v3  }
0xe: {  	s6 =	sadd.s32 $0x1BD00, s0;
	s9 =	simm.s32 $0x5D00;
	s5 =	sadd.s32 s4, s0;
	v2 =	vand.u32 $0x7AF, v2;
	v4 =	vand.u32 $0x7BF, v4;
	v3 =	vand.u32 $0x7, v6  }
0xf: {  	s4 =	sadd.s32 $0x1BC00, s0;
	s7 =	smax.u32 s1, $0x1;
	s10 =	simm.s32 $0x6100;
	v11 =	vor.u32 v3, v5;
	v5 =	vshrl.u32 v6, $0x3;
	v6 =	vor.u32 $0x8, v6  }
0x10: {  	s11 =	simm.s32 $0x6900;
	s12 =	simm.s32 $0x6D00;
	s13 =	simm.s32 $0x7500;
	v12 =	vperm.xlane v11, v3;
	v5 =	vmul.u32 $0x8, v5;
	v13 =	vperm.xlane v11, v6  }
0x11: {  	s14 =	simm.s32 $0x7900;
	s15 =	simm.s32 $0x8100;
	s5 =	sadd.s32 $0x1BA00, s5;
	v7 =	vand.u32 $0x7CF, v7;
	v8 =	vand.u32 $0x7DF, v8;
	v9 =	vand.u32 $0x7EF, v9  }
0x12: {  	s16 =	simm.s32 $0x8500;
	v10 =	vand.u32 $0x7FF, v10;
	[dreg:$0x2] =	wrdreg s5;
	s5 =	sadd.s32 $0x3B00, s0;
	v11 =	vadd.s32 v5, v12;
	v12 =	vadd.s32 v5, v13  }
.LBB2_1:
0x13: {  	s18 =	rddreg [dreg:$0x2]  }
0x14: {  	s19 =	rddreg [dreg:$0x3];
	s0 =	simm.s32 $0x2  }
0x15: {  	[tilespmem:s19], [sflag:$0x2] =	stream.linear.gather [hbm4b:s18+s2], $0x80, $0x38;
	[tilespmem:$0xC100] =	vst v63  }
0x16: {  	_ =	swait.ge [sflag:s0], $0x80  }
0x17: {  	[sflag:s0] =	ssyncset.done $0x0  }
0x18: {  	[sflag:s0] =	ssyncadd.s32 $0xFFFFFF80  }
0x19: {  	[tilespmem:$0x0] =	vst v0  }
0x1a: {  	[tilespmem:$0x10] =	vst v1  }
0x1b: {  	[tilespmem:$0x20] =	vst v2  }
0x1c: {  	[tilespmem:$0x30] =	vst v4  }
0x1d: {  	[tilespmem:$0x40] =	vst v7  }
0x1e: {  	[tilespmem:$0x50] =	vst v8  }
0x1f: {  	[tilespmem:$0x60] =	vst v9  }
0x20: {  	s18 =	simm.s32 $0x100;
	[tilespmem:$0x70] =	vst v10  }
0x21: {  	[tilespmem:s18], [sflag:$0x1] =	stream.indirect_vreg.gather [hbm4b:s3+s2], $0x80, v11, vm0, $0xb8;
	[tilespmem:$0xC100] =	vst v63  }
0x22: {  	s19 =	simm.s32 $0x900  }
0x23: {  	[tilespmem:s19], [sflag:$0x1] =	stream.indirect_vreg.gather [hbm4b:s5+s2], $0x80, v11, vm1, $0xb8;
	[tilespmem:$0xC100] =	vst v63  }
0x24: {  	_ = 	snop  }
0x25: {  	[tilespmem:s20], [sflag:$0x1] =	stream.indirect_vreg.gather [hbm4b:s3+s2], $0x80, v12, vm0, $0xb8;
	[tilespmem:$0xC100] =	vst v63  }
0x26: {  	_ = 	snop  }
0x27: {  	[tilespmem:s21], [sflag:$0x1] =	stream.indirect_vreg.gather [hbm4b:s5+s2], $0x80, v12, vm1, $0xb8;
	[tilespmem:$0xC100] =	vst v63  }
0x28: {  	v13 =	vld [tilespmem:$0x10];
	_ =	sdelay $0x4  }
0x29: {  	v14 =	vshrl.u32 v13, $0x3  }
0x2a: {  	v14 =	vmul.u32 $0x18, v14  }
0x2b: {  	v13 =	vand.u32 $0x7, v13  }
0x2c: {  	v13 =	vor.u32 v13, v14  }
0x2d: {  	v14 =	vperm.xlane v13, v3;
	_ =	sdelay $0x1  }
0x2e: {  	v14 =	vadd.s32 v5, v14;
	_ =	sdelay $0x1  }
0x2f: {  	v13 =	vperm.xlane v13, v6;
	_ =	sdelay $0x1  }
0x30: {  	v13 =	vadd.s32 v5, v13  }
0x31: {  	[tilespmem:s22], [sflag:$0x1] =	stream.indirect_vreg.gather [hbm4b:s3+s2], $0x80, v14, vm0, $0xb8;
	[tilespmem:$0xC100] =	vst v63  }
0x32: {  	_ = 	snop  }
0x33: {  	[tilespmem:s23], [sflag:$0x1] =	stream.indirect_vreg.gather [hbm4b:s5+s2], $0x80, v14, vm1, $0xb8;
	[tilespmem:$0xC100] =	vst v63  }
0x34: {  	_ = 	snop  }
0x35: {  	[tilespmem:s24], [sflag:$0x1] =	stream.indirect_vreg.gather [hbm4b:s3+s2], $0x80, v13, vm0, $0xb8;
	[tilespmem:$0xC100] =	vst v63  }
0x36: {  	_ = 	snop  }
0x37: {  	[tilespmem:s25], [sflag:$0x1] =	stream.indirect_vreg.gather [hbm4b:s5+s2], $0x80, v13, vm1, $0xb8;
	[tilespmem:$0xC100] =	vst v63  }
0x38: {  	v13 =	vld [tilespmem:$0x20];
	_ =	sdelay $0x4  }
0x39: {  	v14 =	vshrl.u32 v13, $0x3  }
0x3a: {  	v14 =	vmul.u32 $0x18, v14  }
0x3b: {  	v13 =	vand.u32 $0x7, v13  }
0x3c: {  	v13 =	vor.u32 v13, v14  }
0x3d: {  	v14 =	vperm.xlane v13, v3;
	_ =	sdelay $0x1  }
0x3e: {  	v14 =	vadd.s32 v5, v14;
	_ =	sdelay $0x1  }
0x3f: {  	v13 =	vperm.xlane v13, v6;
	_ =	sdelay $0x1  }
0x40: {  	v13 =	vadd.s32 v5, v13  }
0x41: {  	[tilespmem:s26], [sflag:$0x1] =	stream.indirect_vreg.gather [hbm4b:s3+s2], $0x80, v14, vm0, $0xb8;
	[tilespmem:$0xC100] =	vst v63  }
0x42: {  	_ = 	snop  }
0x43: {  	[tilespmem:s28], [sflag:$0x1] =	stream.indirect_vreg.gather [hbm4b:s5+s2], $0x80, v14, vm1, $0xb8;
	[tilespmem:$0xC100] =	vst v63  }
0x44: {  	_ = 	snop  }
0x45: {  	[tilespmem:s29], [sflag:$0x1] =	stream.indirect_vreg.gather [hbm4b:s3+s2], $0x80, v13, vm0, $0xb8;
	[tilespmem:$0xC100] =	vst v63  }
0x46: {  	_ = 	snop  }
0x47: {  	[tilespmem:s30], [sflag:$0x1] =	stream.indirect_vreg.gather [hbm4b:s5+s2], $0x80, v13, vm1, $0xb8;
	[tilespmem:$0xC100] =	vst v63  }
0x48: {  	v13 =	vld [tilespmem:$0x30];
	_ =	sdelay $0x4  }
0x49: {  	v14 =	vshrl.u32 v13, $0x3  }
0x4a: {  	v14 =	vmul.u32 $0x18, v14  }
0x4b: {  	v13 =	vand.u32 $0x7, v13  }
0x4c: {  	v13 =	vor.u32 v13, v14  }
0x4d: {  	v14 =	vperm.xlane v13, v3;
	_ =	sdelay $0x1  }
0x4e: {  	v14 =	vadd.s32 v5, v14;
	_ =	sdelay $0x1  }
0x4f: {  	v13 =	vperm.xlane v13, v6;
	_ =	sdelay $0x1  }
0x50: {  	v13 =	vadd.s32 v5, v13  }
0x51: {  	[tilespmem:s31], [sflag:$0x1] =	stream.indirect_vreg.gather [hbm4b:s3+s2], $0x80, v14, vm0, $0xb8;
	[tilespmem:$0xC100] =	vst v63  }
0x52: {  	s1 =	simm.s32 $0x5100  }
0x53: {  	[tilespmem:s1], [sflag:$0x1] =	stream.indirect_vreg.gather [hbm4b:s5+s2], $0x80, v14, vm1, $0xb8;
	[tilespmem:$0xC100] =	vst v63  }
0x54: {  	s1 =	simm.s32 $0x5500  }
0x55: {  	[tilespmem:s1], [sflag:$0x1] =	stream.indirect_vreg.gather [hbm4b:s3+s2], $0x80, v13, vm0, $0xb8;
	[tilespmem:$0xC100] =	vst v63  }
0x56: {  	_ = 	snop  }
0x57: {  	[tilespmem:s9], [sflag:$0x1] =	stream.indirect_vreg.gather [hbm4b:s5+s2], $0x80, v13, vm1, $0xb8;
	[tilespmem:$0xC100] =	vst v63  }
0x58: {  	v13 =	vld [tilespmem:$0x40];
	_ =	sdelay $0x4  }
0x59: {  	v14 =	vshrl.u32 v13, $0x3  }
0x5a: {  	v14 =	vmul.u32 $0x18, v14  }
0x5b: {  	v13 =	vand.u32 $0x7, v13  }
0x5c: {  	v13 =	vor.u32 v13, v14  }
0x5d: {  	v14 =	vperm.xlane v13, v3;
	_ =	sdelay $0x1  }
0x5e: {  	v14 =	vadd.s32 v5, v14;
	_ =	sdelay $0x1  }
0x5f: {  	v13 =	vperm.xlane v13, v6;
	_ =	sdelay $0x1  }
0x60: {  	v13 =	vadd.s32 v5, v13  }
0x61: {  	[tilespmem:s10], [sflag:$0x1] =	stream.indirect_vreg.gather [hbm4b:s3+s2], $0x80, v14, vm0, $0xb8;
	[tilespmem:$0xC100] =	vst v63  }
0x62: {  	_ = 	snop  }
0x63: {  	[tilespmem:s11], [sflag:$0x1] =	stream.indirect_vreg.gather [hbm4b:s5+s2], $0x80, v14, vm1, $0xb8;
	[tilespmem:$0xC100] =	vst v63  }
0x64: {  	_ = 	snop  }
0x65: {  	[tilespmem:s12], [sflag:$0x1] =	stream.indirect_vreg.gather [hbm4b:s3+s2], $0x80, v13, vm0, $0xb8;
	[tilespmem:$0xC100] =	vst v63  }
0x66: {  	_ = 	snop  }
0x67: {  	[tilespmem:s13], [sflag:$0x1] =	stream.indirect_vreg.gather [hbm4b:s5+s2], $0x80, v13, vm1, $0xb8;
	[tilespmem:$0xC100] =	vst v63  }
0x68: {  	v13 =	vld [tilespmem:$0x50];
	_ =	sdelay $0x4  }
0x69: {  	v14 =	vshrl.u32 v13, $0x3  }
0x6a: {  	v14 =	vmul.u32 $0x18, v14  }
0x6b: {  	v13 =	vand.u32 $0x7, v13  }
0x6c: {  	v13 =	vor.u32 v13, v14  }
0x6d: {  	v14 =	vperm.xlane v13, v3;
	_ =	sdelay $0x1  }
0x6e: {  	v14 =	vadd.s32 v5, v14;
	_ =	sdelay $0x1  }
0x6f: {  	v13 =	vperm.xlane v13, v6;
	_ =	sdelay $0x1  }
0x70: {  	v13 =	vadd.s32 v5, v13  }
0x71: {  	[tilespmem:s14], [sflag:$0x1] =	stream.indirect_vreg.gather [hbm4b:s3+s2], $0x80, v14, vm0, $0xb8;
	[tilespmem:$0xC100] =	vst v63  }
0x72: {  	_ = 	snop  }
0x73: {  	[tilespmem:s15], [sflag:$0x1] =	stream.indirect_vreg.gather [hbm4b:s5+s2], $0x80, v14, vm1, $0xb8;
	[tilespmem:$0xC100] =	vst v63  }
0x74: {  	_ = 	snop  }
0x75: {  	[tilespmem:s16], [sflag:$0x1] =	stream.indirect_vreg.gather [hbm4b:s3+s2], $0x80, v13, vm0, $0xb8;
	[tilespmem:$0xC100] =	vst v63  }
0x76: {  	_ = 	snop  }
0x77: {  	[tilespmem:s8], [sflag:$0x1] =	stream.indirect_vreg.gather [hbm4b:s5+s2], $0x80, v13, vm1, $0xb8;
	[tilespmem:$0xC100] =	vst v63  }
0x78: {  	v13 =	vld [tilespmem:$0x60];
	_ =	sdelay $0x4  }
0x79: {  	v14 =	vshrl.u32 v13, $0x3  }
0x7a: {  	v14 =	vmul.u32 $0x18, v14  }
0x7b: {  	v13 =	vand.u32 $0x7, v13  }
0x7c: {  	v13 =	vor.u32 v13, v14  }
0x7d: {  	v14 =	vperm.xlane v13, v3;
	_ =	sdelay $0x1  }
0x7e: {  	v14 =	vadd.s32 v5, v14;
	_ =	sdelay $0x1  }
0x7f: {  	v13 =	vperm.xlane v13, v6;
	_ =	sdelay $0x1  }
0x80: {  	s0 =	simm.s32 $0x9100;
	v13 =	vadd.s32 v5, v13  }
0x81: {  	[tilespmem:s0], [sflag:$0x1] =	stream.indirect_vreg.gather [hbm4b:s3+s2], $0x80, v14, vm0, $0xb8;
	[tilespmem:$0xC100] =	vst v63  }
0x82: {  	s0 =	simm.s32 $0x9900  }
0x83: {  	[tilespmem:s0], [sflag:$0x1] =	stream.indirect_vreg.gather [hbm4b:s5+s2], $0x80, v14, vm1, $0xb8;
	[tilespmem:$0xC100] =	vst v63  }
0x84: {  	s0 =	simm.s32 $0x9D00  }
0x85: {  	[tilespmem:s0], [sflag:$0x1] =	stream.indirect_vreg.gather [hbm4b:s3+s2], $0x80, v13, vm0, $0xb8;
	[tilespmem:$0xC100] =	vst v63  }
0x86: {  	s0 =	simm.s32 $0xA500  }
0x87: {  	[tilespmem:s0], [sflag:$0x1] =	stream.indirect_vreg.gather [hbm4b:s5+s2], $0x80, v13, vm1, $0xb8;
	[tilespmem:$0xC100] =	vst v63  }
0x88: {  	v13 =	vld [tilespmem:$0x70];
	_ =	sdelay $0x4  }
0x89: {  	v14 =	vshrl.u32 v13, $0x3  }
0x8a: {  	v14 =	vmul.u32 $0x18, v14  }
0x8b: {  	v13 =	vand.u32 $0x7, v13  }
0x8c: {  	v13 =	vor.u32 v13, v14  }
0x8d: {  	v14 =	vperm.xlane v13, v3;
	_ =	sdelay $0x1  }
0x8e: {  	v14 =	vadd.s32 v5, v14;
	_ =	sdelay $0x1  }
0x8f: {  	v13 =	vperm.xlane v13, v6;
	_ =	sdelay $0x1  }
0x90: {  	s0 =	simm.s32 $0xA900;
	v13 =	vadd.s32 v5, v13  }
0x91: {  	[tilespmem:s0], [sflag:$0x1] =	stream.indirect_vreg.gather [hbm4b:s3+s2], $0x80, v14, vm0, $0xb8;
	[tilespmem:$0xC100] =	vst v63  }
0x92: {  	s0 =	simm.s32 $0xB100  }
0x93: {  	[tilespmem:s0], [sflag:$0x1] =	stream.indirect_vreg.gather [hbm4b:s5+s2], $0x80, v14, vm1, $0xb8;
	[tilespmem:$0xC100] =	vst v63  }
0x94: {  	s0 =	simm.s32 $0xB500  }
0x95: {  	[tilespmem:s0], [sflag:$0x1] =	stream.indirect_vreg.gather [hbm4b:s3+s2], $0x80, v13, vm0, $0xb8;
	[tilespmem:$0xC100] =	vst v63  }
0x96: {  	s0 =	simm.s32 $0xBD00  }
0x97: {  	[tilespmem:s0], [sflag:$0x1] =	stream.indirect_vreg.gather [hbm4b:s5+s2], $0x80, v13, vm1, $0xb8;
	[tilespmem:$0xC100] =	vst v63  }
0x98: {  	_ =	swait.ge [sflag:s17], $0xC000  }
0x99: {  	[sflag:s17] =	ssyncset.done $0x0  }
0x9a: {  	[sflag:s17] =	ssyncadd.s32 $0xFFFF4000  }
0x9b: {  	v13 =	vld [tilespmem:$0x80];
	_ =	sdelay $0x4  }
0x9c: {  	v14 =	vshrl.u32 v13, $0x3  }
0x9d: {  	v14 =	vmul.u32 $0x18, v14  }
0x9e: {  	v13 =	vand.u32 $0x7, v13  }
0x9f: {  	v13 =	vor.u32 v13, v14  }
0xa0: {  	v14 =	vperm.xlane v13, v3;
	_ =	sdelay $0x1  }
0xa1: {  	v14 =	vadd.s32 v5, v14;
	_ =	sdelay $0x1  }
0xa2: {  	v13 =	vperm.xlane v13, v6;
	_ =	sdelay $0x1  }
0xa3: {  	v13 =	vadd.s32 v5, v13  }
0xa4: {  	[hbm4b:s4+s2] =	stream.indirect_vreg.scatter [tilespmem:s18], [sflag:$0x1], $0x80, v14, vm0, $0xb8;
	[tilespmem:$0xC100] =	vst v63  }
0xa5: {  	_ = 	snop  }
0xa6: {  	[hbm4b:s6+s2] =	stream.indirect_vreg.scatter [tilespmem:s19], [sflag:$0x1], $0x80, v14, vm1, $0xb8;
	[tilespmem:$0xC100] =	vst v63  }
0xa7: {  	_ = 	snop  }
0xa8: {  	[hbm4b:s4+s2] =	stream.indirect_vreg.scatter [tilespmem:s20], [sflag:$0x1], $0x80, v13, vm0, $0xb8;
	[tilespmem:$0xC100] =	vst v63  }
0xa9: {  	_ = 	snop  }
0xaa: {  	[hbm4b:s6+s2] =	stream.indirect_vreg.scatter [tilespmem:s21], [sflag:$0x1], $0x80, v13, vm1, $0xb8;
	[tilespmem:$0xC100] =	vst v63  }
0xab: {  	v13 =	vld [tilespmem:$0x90];
	_ =	sdelay $0x4  }
0xac: {  	v14 =	vshrl.u32 v13, $0x3  }
0xad: {  	v14 =	vmul.u32 $0x18, v14  }
0xae: {  	v13 =	vand.u32 $0x7, v13  }
0xaf: {  	v13 =	vor.u32 v13, v14  }
0xb0: {  	v14 =	vperm.xlane v13, v3;
	_ =	sdelay $0x1  }
0xb1: {  	v14 =	vadd.s32 v5, v14;
	_ =	sdelay $0x1  }
0xb2: {  	v13 =	vperm.xlane v13, v6;
	_ =	sdelay $0x1  }
0xb3: {  	v13 =	vadd.s32 v5, v13  }
0xb4: {  	[hbm4b:s4+s2] =	stream.indirect_vreg.scatter [tilespmem:s22], [sflag:$0x1], $0x80, v14, vm0, $0xb8;
	[tilespmem:$0xC100] =	vst v63  }
0xb5: {  	_ = 	snop  }
0xb6: {  	[hbm4b:s6+s2] =	stream.indirect_vreg.scatter [tilespmem:s23], [sflag:$0x1], $0x80, v14, vm1, $0xb8;
	[tilespmem:$0xC100] =	vst v63  }
0xb7: {  	_ = 	snop  }
0xb8: {  	[hbm4b:s4+s2] =	stream.indirect_vreg.scatter [tilespmem:s24], [sflag:$0x1], $0x80, v13, vm0, $0xb8;
	[tilespmem:$0xC100] =	vst v63  }
0xb9: {  	_ = 	snop  }
0xba: {  	[hbm4b:s6+s2] =	stream.indirect_vreg.scatter [tilespmem:s25], [sflag:$0x1], $0x80, v13, vm1, $0xb8;
	[tilespmem:$0xC100] =	vst v63  }
0xbb: {  	v13 =	vld [tilespmem:$0xA0];
	_ =	sdelay $0x4  }
0xbc: {  	v14 =	vshrl.u32 v13, $0x3  }
0xbd: {  	v14 =	vmul.u32 $0x18, v14  }
0xbe: {  	v13 =	vand.u32 $0x7, v13  }
0xbf: {  	v13 =	vor.u32 v13, v14  }
0xc0: {  	v14 =	vperm.xlane v13, v3;
	_ =	sdelay $0x1  }
0xc1: {  	v14 =	vadd.s32 v5, v14;
	_ =	sdelay $0x1  }
0xc2: {  	v13 =	vperm.xlane v13, v6;
	_ =	sdelay $0x1  }
0xc3: {  	v13 =	vadd.s32 v5, v13  }
0xc4: {  	[hbm4b:s4+s2] =	stream.indirect_vreg.scatter [tilespmem:s26], [sflag:$0x1], $0x80, v14, vm0, $0xb8;
	[tilespmem:$0xC100] =	vst v63  }
0xc5: {  	_ = 	snop  }
0xc6: {  	[hbm4b:s6+s2] =	stream.indirect_vreg.scatter [tilespmem:s28], [sflag:$0x1], $0x80, v14, vm1, $0xb8;
	[tilespmem:$0xC100] =	vst v63  }
0xc7: {  	_ = 	snop  }
0xc8: {  	[hbm4b:s4+s2] =	stream.indirect_vreg.scatter [tilespmem:s29], [sflag:$0x1], $0x80, v13, vm0, $0xb8;
	[tilespmem:$0xC100] =	vst v63  }
0xc9: {  	_ = 	snop  }
0xca: {  	[hbm4b:s6+s2] =	stream.indirect_vreg.scatter [tilespmem:s30], [sflag:$0x1], $0x80, v13, vm1, $0xb8;
	[tilespmem:$0xC100] =	vst v63  }
0xcb: {  	v13 =	vld [tilespmem:$0xB0];
	_ =	sdelay $0x4  }
0xcc: {  	v14 =	vshrl.u32 v13, $0x3  }
0xcd: {  	v14 =	vmul.u32 $0x18, v14  }
0xce: {  	v13 =	vand.u32 $0x7, v13  }
0xcf: {  	v13 =	vor.u32 v13, v14  }
0xd0: {  	v14 =	vperm.xlane v13, v3;
	_ =	sdelay $0x1  }
0xd1: {  	v14 =	vadd.s32 v5, v14;
	_ =	sdelay $0x1  }
0xd2: {  	v13 =	vperm.xlane v13, v6;
	_ =	sdelay $0x1  }
0xd3: {  	v13 =	vadd.s32 v5, v13  }
0xd4: {  	[hbm4b:s4+s2] =	stream.indirect_vreg.scatter [tilespmem:s31], [sflag:$0x1], $0x80, v14, vm0, $0xb8;
	[tilespmem:$0xC100] =	vst v63  }
0xd5: {  	s19 =	simm.s32 $0x5100  }
0xd6: {  	[hbm4b:s6+s2] =	stream.indirect_vreg.scatter [tilespmem:s19], [sflag:$0x1], $0x80, v14, vm1, $0xb8;
	[tilespmem:$0xC100] =	vst v63  }
0xd7: {  	_ = 	snop  }
0xd8: {  	[hbm4b:s4+s2] =	stream.indirect_vreg.scatter [tilespmem:s1], [sflag:$0x1], $0x80, v13, vm0, $0xb8;
	[tilespmem:$0xC100] =	vst v63  }
0xd9: {  	_ = 	snop  }
0xda: {  	[hbm4b:s6+s2] =	stream.indirect_vreg.scatter [tilespmem:s9], [sflag:$0x1], $0x80, v13, vm1, $0xb8;
	[tilespmem:$0xC100] =	vst v63  }
0xdb: {  	v13 =	vld [tilespmem:$0xC0];
	_ =	sdelay $0x4  }
0xdc: {  	v14 =	vshrl.u32 v13, $0x3  }
0xdd: {  	v14 =	vmul.u32 $0x18, v14  }
0xde: {  	v13 =	vand.u32 $0x7, v13  }
0xdf: {  	v13 =	vor.u32 v13, v14  }
0xe0: {  	v14 =	vperm.xlane v13, v3;
	_ =	sdelay $0x1  }
0xe1: {  	v14 =	vadd.s32 v5, v14;
	_ =	sdelay $0x1  }
0xe2: {  	v13 =	vperm.xlane v13, v6;
	_ =	sdelay $0x1  }
0xe3: {  	v13 =	vadd.s32 v5, v13  }
0xe4: {  	[hbm4b:s4+s2] =	stream.indirect_vreg.scatter [tilespmem:s10], [sflag:$0x1], $0x80, v14, vm0, $0xb8;
	[tilespmem:$0xC100] =	vst v63  }
0xe5: {  	_ = 	snop  }
0xe6: {  	[hbm4b:s6+s2] =	stream.indirect_vreg.scatter [tilespmem:s11], [sflag:$0x1], $0x80, v14, vm1, $0xb8;
	[tilespmem:$0xC100] =	vst v63  }
0xe7: {  	_ = 	snop  }
0xe8: {  	[hbm4b:s4+s2] =	stream.indirect_vreg.scatter [tilespmem:s12], [sflag:$0x1], $0x80, v13, vm0, $0xb8;
	[tilespmem:$0xC100] =	vst v63  }
0xe9: {  	_ = 	snop  }
0xea: {  	[hbm4b:s6+s2] =	stream.indirect_vreg.scatter [tilespmem:s13], [sflag:$0x1], $0x80, v13, vm1, $0xb8;
	[tilespmem:$0xC100] =	vst v63  }
0xeb: {  	v13 =	vld [tilespmem:$0xD0];
	_ =	sdelay $0x4  }
0xec: {  	v14 =	vshrl.u32 v13, $0x3  }
0xed: {  	v14 =	vmul.u32 $0x18, v14  }
0xee: {  	v13 =	vand.u32 $0x7, v13  }
0xef: {  	v13 =	vor.u32 v13, v14  }
0xf0: {  	v14 =	vperm.xlane v13, v3;
	_ =	sdelay $0x1  }
0xf1: {  	v14 =	vadd.s32 v5, v14;
	_ =	sdelay $0x1  }
0xf2: {  	v13 =	vperm.xlane v13, v6;
	_ =	sdelay $0x1  }
0xf3: {  	v13 =	vadd.s32 v5, v13  }
0xf4: {  	[hbm4b:s4+s2] =	stream.indirect_vreg.scatter [tilespmem:s14], [sflag:$0x1], $0x80, v14, vm0, $0xb8;
	[tilespmem:$0xC100] =	vst v63  }
0xf5: {  	_ = 	snop  }
0xf6: {  	[hbm4b:s6+s2] =	stream.indirect_vreg.scatter [tilespmem:s15], [sflag:$0x1], $0x80, v14, vm1, $0xb8;
	[tilespmem:$0xC100] =	vst v63  }
0xf7: {  	_ = 	snop  }
0xf8: {  	[hbm4b:s4+s2] =	stream.indirect_vreg.scatter [tilespmem:s16], [sflag:$0x1], $0x80, v13, vm0, $0xb8;
	[tilespmem:$0xC100] =	vst v63  }
0xf9: {  	_ = 	snop  }
0xfa: {  	[hbm4b:s6+s2] =	stream.indirect_vreg.scatter [tilespmem:s8], [sflag:$0x1], $0x80, v13, vm1, $0xb8;
	[tilespmem:$0xC100] =	vst v63  }
0xfb: {  	v13 =	vld [tilespmem:$0xE0];
	_ =	sdelay $0x4  }
0xfc: {  	v14 =	vshrl.u32 v13, $0x3  }
0xfd: {  	v14 =	vmul.u32 $0x18, v14  }
0xfe: {  	v13 =	vand.u32 $0x7, v13  }
0xff: {  	v13 =	vor.u32 v13, v14  }
0x100: {  	v14 =	vperm.xlane v13, v3;
	_ =	sdelay $0x1  }
0x101: {  	v14 =	vadd.s32 v5, v14;
	_ =	sdelay $0x1  }
0x102: {  	v13 =	vperm.xlane v13, v6;
	_ =	sdelay $0x1  }
0x103: {  	s19 =	simm.s32 $0x9100;
	v13 =	vadd.s32 v5, v13  }
0x104: {  	[hbm4b:s4+s2] =	stream.indirect_vreg.scatter [tilespmem:s19], [sflag:$0x1], $0x80, v14, vm0, $0xb8;
	[tilespmem:$0xC100] =	vst v63  }
0x105: {  	s18 =	simm.s32 $0x9900  }
0x106: {  	[hbm4b:s6+s2] =	stream.indirect_vreg.scatter [tilespmem:s18], [sflag:$0x1], $0x80, v14, vm1, $0xb8;
	[tilespmem:$0xC100] =	vst v63  }
0x107: {  	s19 =	simm.s32 $0x9D00  }
0x108: {  	[hbm4b:s4+s2] =	stream.indirect_vreg.scatter [tilespmem:s19], [sflag:$0x1], $0x80, v13, vm0, $0xb8;
	[tilespmem:$0xC100] =	vst v63  }
0x109: {  	s18 =	simm.s32 $0xA500  }
0x10a: {  	[hbm4b:s6+s2] =	stream.indirect_vreg.scatter [tilespmem:s18], [sflag:$0x1], $0x80, v13, vm1, $0xb8;
	[tilespmem:$0xC100] =	vst v63  }
0x10b: {  	v13 =	vld [tilespmem:$0xF0];
	_ =	sdelay $0x4  }
0x10c: {  	v14 =	vshrl.u32 v13, $0x3  }
0x10d: {  	v14 =	vmul.u32 $0x18, v14  }
0x10e: {  	v13 =	vand.u32 $0x7, v13  }
0x10f: {  	v13 =	vor.u32 v13, v14  }
0x110: {  	v14 =	vperm.xlane v13, v3;
	_ =	sdelay $0x1  }
0x111: {  	v14 =	vadd.s32 v5, v14;
	_ =	sdelay $0x1  }
0x112: {  	v13 =	vperm.xlane v13, v6;
	_ =	sdelay $0x1  }
0x113: {  	s19 =	simm.s32 $0xA900;
	v13 =	vadd.s32 v5, v13  }
0x114: {  	[hbm4b:s4+s2] =	stream.indirect_vreg.scatter [tilespmem:s19], [sflag:$0x1], $0x80, v14, vm0, $0xb8;
	[tilespmem:$0xC100] =	vst v63  }
0x115: {  	s18 =	simm.s32 $0xB100  }
0x116: {  	[hbm4b:s6+s2] =	stream.indirect_vreg.scatter [tilespmem:s18], [sflag:$0x1], $0x80, v14, vm1, $0xb8;
	[tilespmem:$0xC100] =	vst v63  }
0x117: {  	p0 =	sne.s32 s7, $0x1;
	s19 =	simm.s32 $0xB500  }
0x118: {  	[hbm4b:s4+s2] =	stream.indirect_vreg.scatter [tilespmem:s19], [sflag:$0x1], $0x80, v13, vm0, $0xb8;
	[tilespmem:$0xC100] =	vst v63  }
.Ltmp0:
0x119: {  	_ = 	snop;
	(pc) =	sbr.rel @p0 .LBB2_1-.Ltmp0, $4  }
0x11a: {  	[hbm4b:s6+s2] =	stream.indirect_vreg.scatter [tilespmem:s0], [sflag:$0x1], $0x80, v13, vm1, $0xb8;
	[tilespmem:$0xC100] =	vst v63  }
0x11b: {  	_ =	swait.ge [sflag:s17], $0xC000  }
0x11c: {  	[sflag:s17] =	ssyncset.done $0x0  }
0x11d: {  	s7 =	sadd.s32 $0xFFFFFFFF, s7;
	[sflag:s17] =	ssyncadd.s32 $0xFFFF4000  }
0x11e: {  	_ =	sfence.sel $0x180000  }
0x11f: {  	[bflag:$0x0] =	sbarrier.arrive $0xFFFF  }
0x120: {  	_ =	strace $0x90000047  }
0x121: {  	s0 =	stileid.u32;
	[bflag:$0x2] =	sbarrier.arrive $0xFFFF  }
0x122: {  	p0 =	sne.s32 s0, $0x0;
	s0 =	rddreg [dreg:$0x1]  }
0x123: {  	s0 =	sadd.s32 @!p0 $0x100000, s0  }
0x124: {  	[sflag:s0] =	ssyncadd.tile.s32 @!p0 $0x1;
	_ =	shalt  }
.Lfunc_end2:
_tile_overlayer_lowered:
.L_overlay_start_2:
0x125: {  	(tag) =	ssettag $0x2  }
0x126: {  	s0 =	rddreg [dreg:$0x0];
	s2 =	stileid.u32  }
0x127: {  	s1 =	rddreg [dreg:$0x1];
	p0 =	sne.s32 s2, $0x0  }
0x128: {  	s3 =	rddreg [dreg:$0x2];
	[bflag:$0x3] =	sbarrier.arrive $0xFFFF;
	s2 =	simm.s32 @!p0 $0x1C02  }
0x129: {  	[timem:s3], [sflag:s2] =	dma.local @!p0 [hbm:s0], s1  }
0x12a: {  	s0 =	simm.s32 @!p0 $0x2  }
0x12b: {  	_ =	swait.ge @!p0 [sflag:s0], s1  }
0x12c: {  	s1 =	ssub.s32 @!p0 $0x0, s1;
	[sflag:s0] =	ssyncset.done @!p0 $0x0  }
0x12d: {  	[sflag:s0] =	ssyncadd.s32 @!p0 s1  }
0x12e: {  	[bflag:$0x3] =	sbarrier.arrive $0xFFFF  }
0x12f: {  	_ =	shalt  }

// kernel: kernel.13.cloned.1.call-start
scs
__scs_entry_jumppad:
0x0: {  	(pc) =	sbr.rel $0x88, $3  }
0x1: {  	(tag) =	ssettag $0x0;
	lr =	simm.s32 $0x1  }
0x2: {  	[smem:$0x3F8E] =	sst lr;
	_ =	strace $0xD0000000  }
0x3: {  	_ = 	snop  }
0x4: {  	_ = 	snop  }
0x5: {  	_ = 	snop  }
0x6: {  	_ = 	snop  }
0x7: {  	_ = 	snop  }
__scs_overlays_trampoline_lowered:
0x8: {  	[smem:$0x3F9D] =	sst s0  }
0x9: {  	[smem:$0x3F9E] =	sst s1  }
0xa: {  	[smem:$0x3F9F] =	sst s2  }
0xb: {  	[smem:$0x3FA0] =	sst s3  }
0xc: {  	[smem:$0x3FA1] =	sst s4  }
0xd: {  	[smem:$0x3FA2] =	sst s5  }
0xe: {  	[smem:$0x3FA3] =	sst s6  }
0xf: {  	[smem:$0x3FA4] =	sst s7  }
0x10: {  	[smem:$0x3FA5] =	sst s8  }
0x11: {  	[smem:$0x3FA6] =	sst s9;
	s0 =	simm.s32 @!p0 $0x0  }
0x12: {  	s1 =	sld [smem:$0x3F8C];
	s0 =	simm.s32 @p0 $0x1  }
0x13: {  	[smem:$0x3FA7] =	sst s0;
	s0 =	simm.s32 @!p1 $0x0  }
0x14: {  	s2 =	sld [smem:$0x3F8B];
	s0 =	simm.s32 @p1 $0x1  }
0x15: {  	[smem:$0x3FA8] =	sst s0;
	s0 =	simm.s32 @!p2 $0x0  }
0x16: {  	s3 =	sld [smem:$0x3FDB];
	s0 =	simm.s32 @p2 $0x1  }
0x17: {  	s4 =	simm.s32 $0x1BF5;
	[smem:$0x3FAA] =	sst s0  }
0x18: {  	s0 =	sld [smem:$0x3F8D];
	_ =	swait.ge [sflag:s4], $0x0  }
0x19: {  	s7 =	sld [smem:$0x3F8E]  }
0x1a: {  	s8 =	sadd.s32 $0xFFFFE003, lr  }
0x1b: {  	s9 =	sadd.s32 $0xFFFFFEF7, lr;
	s5 =	simm.s32 $0xFFFFFFFF;
	p2 =	slt.u32 s8, $0xFFFFF086  }
0x1c: {  	p1 =	slt.u32 s9, $0xF7A;
	s5 =	simm.s32 @!p2 $0x0  }
0x1d: {  	s5 =	simm.s32 @p1 $0x1;
	p0 =	seq.s32 s7, s2  }
0x1e: {  	s7 =	smul.u32 @!p0 $0xF7A, s2;
	p2 =	seq.s32 @!p0 s5, $0x0  }
0x1f: {  	s9 =	smul.u32 $0xF7A, s1;
	s8 =	simm.s32 @!p0 $0x1BF5;
	p2 =	por !p2, p0  }
0x20: {  	[sflag:s8] =	ssyncset.s32 @!p0 $0xFFFFF086;
	s6 =	sadd.s32 @!p0 s3, s7;
	s7 =	simm.s32 @!p0 $0x108  }
0x21: {  	s3 =	sadd.s32 s3, s9;
	s6 =	sadd.s32 @!p0 $0x88, s6;
	s7 =	simm.s32 @p2 $0x1082  }
0x22: {  	[simem:s7], [sflag:s8] =	dma.local @!p0 [hbm:s6], $0xF7A  }
0x23: {  	s9 =	sor.u32 $0xD0000000, s2;
	s6 =	simm.s32 $0x108;
	_ =	swait.ge @!p0 [sflag:s8], $0x0  }
0x24: {  	s3 =	sadd.s32 $0x88, s3;
	s6 =	simm.s32 @!p1 $0x1082;
	[sflag:s4] =	ssyncset.s32 $0xFFFFF086  }
0x25: {  	[simem:s6], [sflag:s4] =	dma.local [hbm:s3], $0xF7A  }
0x26: {  	[smem:$0x3F8E] =	sst s1;
	(tag) =	ssettag s2;
	_ =	strace s9  }
0x27: {  	s1 =	sld [smem:$0x3F9E]  }
0x28: {  	s2 =	sld [smem:$0x3F9F]  }
0x29: {  	s4 =	sld [smem:$0x3FA1]  }
0x2a: {  	p0 =	seq.s32 s5, $0x0;
	s5 =	sld [smem:$0x3FA2]  }
0x2b: {  	s6 =	sld [smem:$0x3FA3]  }
0x2c: {  	s7 =	sld [smem:$0x3FA4]  }
0x2d: {  	s3 =	simm.s32 $0x108;
	s8 =	sld [smem:$0x3FA5]  }
0x2e: {  	s3 =	simm.s32 @!p0 $0x1082;
	s9 =	sld [smem:$0x3FA6]  }
0x2f: {  	lr =	sadd.s32 s0, s3;
	s0 =	sld [smem:$0x3F9D]  }
0x30: {  	s3 =	sld [smem:$0x3FA0]  }
0x31: {  	[smem:$0x3FA9] =	sst s10  }
0x32: {  	s10 =	sld [smem:$0x3FA7];
	_ =	sdelay $0x3  }
0x33: {  	p0 =	seq.s32 s10, $0x1;
	s10 =	sld [smem:$0x3FA9];
	_ =	sdelay $0x3  }
0x34: {  	[smem:$0x3FA9] =	sst s10  }
0x35: {  	s10 =	sld [smem:$0x3FA8];
	_ =	sdelay $0x3  }
0x36: {  	p1 =	seq.s32 s10, $0x1;
	s10 =	sld [smem:$0x3FA9];
	_ =	sdelay $0x3  }
0x37: {  	[smem:$0x3FA9] =	sst s10  }
0x38: {  	s10 =	sld [smem:$0x3FAA]  }
0x39: {  	_ = 	snop;
	(pc) =	sbr.ind lr, $3  }
0x3a: {  	_ = 	snop  }
0x3b: {  	_ = 	snop  }
0x3c: {  	p2 =	seq.s32 s10, $0x1;
	s10 =	sld [smem:$0x3FA9]  }
0x3d: {  	_ =	shalt  }
0x3e: {  	_ =	shalt  }
0x3f: {  	_ =	shalt  }
0x40: {  	_ =	shalt  }
0x41: {  	_ =	shalt  }
0x42: {  	_ =	shalt  }
0x43: {  	_ =	shalt  }
0x44: {  	_ =	shalt  }
0x45: {  	_ =	shalt  }
0x46: {  	_ =	shalt  }
0x47: {  	_ =	shalt  }
0x48: {  	_ =	shalt  }
0x49: {  	_ =	shalt  }
0x4a: {  	_ =	shalt  }
0x4b: {  	_ =	shalt  }
0x4c: {  	_ =	shalt  }
0x4d: {  	_ =	shalt  }
0x4e: {  	_ =	shalt  }
0x4f: {  	_ =	shalt  }
0x50: {  	_ =	shalt  }
0x51: {  	_ =	shalt  }
0x52: {  	_ =	shalt  }
0x53: {  	_ =	shalt  }
0x54: {  	_ =	shalt  }
0x55: {  	_ =	shalt  }
0x56: {  	_ =	shalt  }
0x57: {  	_ =	shalt  }
0x58: {  	_ =	shalt  }
0x59: {  	_ =	shalt  }
0x5a: {  	_ =	shalt  }
0x5b: {  	_ =	shalt  }
0x5c: {  	_ =	shalt  }
0x5d: {  	_ =	shalt  }
0x5e: {  	_ =	shalt  }
0x5f: {  	_ =	shalt  }
0x60: {  	_ =	shalt  }
0x61: {  	_ =	shalt  }
0x62: {  	_ =	shalt  }
0x63: {  	_ =	shalt  }
0x64: {  	_ =	shalt  }
0x65: {  	_ =	shalt  }
0x66: {  	_ =	shalt  }
0x67: {  	_ =	shalt  }
0x68: {  	_ =	shalt  }
0x69: {  	_ =	shalt  }
0x6a: {  	_ =	shalt  }
0x6b: {  	_ =	shalt  }
0x6c: {  	_ =	shalt  }
0x6d: {  	_ =	shalt  }
0x6e: {  	_ =	shalt  }
0x6f: {  	_ =	shalt  }
0x70: {  	_ =	shalt  }
0x71: {  	_ =	shalt  }
0x72: {  	_ =	shalt  }
0x73: {  	_ =	shalt  }
0x74: {  	_ =	shalt  }
0x75: {  	_ =	shalt  }
0x76: {  	_ =	shalt  }
0x77: {  	_ =	shalt  }
0x78: {  	_ =	shalt  }
0x79: {  	_ =	shalt  }
0x7a: {  	_ =	shalt  }
0x7b: {  	_ =	shalt  }
0x7c: {  	_ =	shalt  }
0x7d: {  	_ =	shalt  }
0x7e: {  	_ =	shalt  }
0x7f: {  	_ =	shalt  }
0x80: {  	_ =	shalt  }
0x81: {  	_ =	shalt  }
0x82: {  	_ =	shalt  }
0x83: {  	_ =	shalt  }
0x84: {  	_ =	shalt  }
0x85: {  	_ =	shalt  }
0x86: {  	_ =	shalt  }
0x87: {  	_ =	shalt  }
.Lfunc_end0:
.L_simem_size_0:
called_computation.1_lowered:
.L_overlay_start_0:
0x88: {  	s2 =	sld [smem:$0x3FD9]  }
0x89: {  	s3 =	sld [smem:$0x3FFE];
	_ =	sdelay $0x1  }
0x8a: {  	s1 =	srdreg.scid  }
0x8b: {  	s0 =	sand.u32 $0x1, s1  }
0x8c: {  	s16 =	sshll.u32 s0, $0xA;
	s2 =	sadd.s32 s3, s2  }
0x8d: {  	s2 =	sadd.s32 s2, s16  }
0x8e: {  	[smem:$0x3FB5] =	sst s2  }
0x8f: {  	_ = 	snop  }
0x90: {  	(tm) =	ssettm $0x1  }
0x91: {  	s17 =	sld [smem:$0x3FFB];
	_ =	sdelay $0x3  }
0x92: {  	_ =	strace s17  }
0x93: {  	s2 =	sld [smem:$0x3FFC];
	_ =	sdelay $0x3  }
0x94: {  	_ =	strace s2  }
0x95: {  	s2 =	sld [smem:$0x3FFD];
	_ =	sdelay $0x3  }
0x96: {  	_ =	strace s2  }
0x97: {  	_ =	strace $0x8FFFFFFF  }
0x98: {  	s18 =	sld [smem:$0x3FDB];
	_ =	sdelay $0x1  }
0x99: {  	s19 =	simm.s32 $_scs_section_size  }
0x9a: {  	s4 =	simm.s32 $_size__tile_overlayer_lowered;
	s5 =	simm.s32 $_tile_overlayer_lowered  }
0x9b: {  	s22 =	simm.s32 $0x1BFF;
	s21 =	sshll.u32 s5, $0x1;
	s2 =	sadd.s32 s19, s18  }
0x9c: {  	s6 =	simm.s32 $0x0;
	s20 =	sshll.u32 s4, $0x1;
	s4 =	sadd.s32 s21, s2  }
0x9d: {  	[timem:s6], [sflag:s22] =	dma.local [hbm:s4], s20  }
0x9e: {  	_ =	swait.ge [sflag:s22], s20  }
0x9f: {  	s3 =	ssub.s32 $0x0, s20;
	[sflag:s22] =	ssyncset.done $0x0  }
0xa0: {  	[sflag:s22] =	ssyncadd.s32 s3;
	_ =	sdelay $0x1  }
0xa1: {  	s23 =	simm.s32 $0x1B8B  }
0xa2: {  	_ =	swait.ge [sflag:s23], $0x1  }
0xa3: {  	[sflag:s23] =	ssyncset.done $0x0  }
0xa4: {  	s25 =	simm.s32 $0x1B8E;
	s24 =	sld [smem:$0x3FFE];
	[sflag:s23] =	ssyncadd.s32 $0xFFFFFFFF  }
0xa5: {  	s26 =	simm.s32 $execute0_lowered;
	[smem:$0x3FD2] =	sst s25  }
0xa6: {  	s4 =	sshll.u32 s26, $0x1;
	_ =	strace $0x80000049;
	[dreg:$0x1] =	wrdreg $0xFFFFFFFF  }
0xa7: {  	s28 =	simm.s32 $_size_execute0_lowered;
	s2 =	sadd.s32 s2, s4;
	[dreg:$0x0] =	wrdreg $0x0  }
0xa8: {  	s4 =	sshll.u32 s28, $0x1;
	[dreg:$0x2] =	wrdreg s2  }
0xa9: {  	[dreg:$0x3] =	wrdreg s4  }
0xaa: {  	[dreg:$0x4] =	wrdreg $0xC0  }
0xab: {  	_ =	task [dreg:s6], $0x5FFFF  }
0xac: {  	[dreg:$0x1] =	wrdreg $0xFFFFFFFF  }
0xad: {  	[dreg:$0x0] =	wrdreg $0x60  }
0xae: {  	[dreg:$0x2] =	wrdreg s24  }
0xaf: {  	[dreg:$0x3] =	wrdreg $0x9  }
0xb0: {  	_ =	task.clear_ibuf [dreg:s6], $0x4FFFF;
	_ =	strace $0x90000049  }
0xb1: {  	s29 =	simm.s32 $0x9;
	_ =	strace $0x8000004B  }
0xb2: {  	_ =	swait.ge [sflag:s29], $0x1  }
0xb3: {  	[sflag:s29] =	ssyncadd.s32 $0xFFFFFFFF  }
0xb4: {  	_ =	strace $0x9000004B  }
0xb5: {  	_ =	sfence  }
0xb6: {  	s30 =	sld [smem:$0x0];
	_ =	sdelay $0x2  }
0xb7: {  	s31 =	sshll.u32 s1, $0xD;
	s1 =	sshrl.u32 s1, $0x2  }
0xb8: {  	s3 =	sand.u32 $0x4000, s31;
	s1 =	sadd.s32 s1, s30  }
0xb9: {  	s0 =	sor.u32 s3, s0;
	s1 =	sshll.u32 s1, $0x11  }
0xba: {  	s0 =	sor.u32 s1, s0  }
0xbb: {  	s0 =	sadd.s32 $0x8F2B, s0  }
0xbc: {  	[sflag:s0] =	ssyncadd.remote.s32 $0x1  }
0xbd: {  	_ =	sfence.sel $0xFFFF  }
0xbe: {  	[dreg:$0x0] =	wrdreg $0xFFFFFFFF;
	(pc) =	sbr.abs _section_cstart, $3  }
0xbf: {  	[dreg:$0x1] =	wrdreg $0xFFFFFFFF  }
0xc0: {  	_ =	task.clear_ibuf [dreg:s6], $0x2FFFF;
	_ =	strace $0x9FFFFFFF  }
0xc1: {  	(tm) =	ssettm $0x7FFFFFFF  }
tec
execute0_lowered:
.L_overlay_start_1:
0x0: {  	(tag) =	ssettag $0x1  }
0x1: {  	s0 =	srdreg.scid  }
0x2: {  	s2 =	stileid.u32;
	s1 =	rddreg [dreg:$0x0];
	s10 =	simm.s32 $0x880  }
0x3: {  	s11 =	simm.s32 $0x1080;
	s12 =	simm.s32 $0x1880;
	s13 =	simm.s32 $0x2080  }
0x4: {  	s14 =	simm.s32 $0x2880;
	s15 =	simm.s32 $0x3080;
	s16 =	simm.s32 $0x3880  }
0x5: {  	s17 =	simm.s32 $0x4080;
	s18 =	simm.s32 $0x4880;
	s19 =	simm.s32 $0x5080  }
0x6: {  	s20 =	simm.s32 $0x5880;
	s21 =	simm.s32 $0x6080;
	s22 =	simm.s32 $0x6880  }
0x7: {  	s23 =	simm.s32 $0x7080;
	s24 =	simm.s32 $0x7880;
	s28 =	simm.s32 $0x9080  }
0x8: {  	s29 =	simm.s32 $0x9880;
	s30 =	simm.s32 $0xA080;
	s31 =	simm.s32 $0xA880  }
0x9: {  	s0 =	sand.u32 $0x1, s0;
	s3 =	sshll.u32 s2, $0x4;
	s2 =	simm.s32 $0x0  }
0xa: {  	s4 =	sshll.u32 s0, $0x3;
	[smem:$0x7FF] =	sst s2;
	s0 =	ssub.s32 $0x2, s0  }
0xb: {  	s3 =	sor.u32 s4, s3;
	_ =	strace $0x8000004A;
	s7 =	sshrl.u32 s0, $0x1  }
0xc: {  	s4 =	smul.u32 $0x300, s3;
	s5 =	sadd.s32 s3, s1;
	s3 =	sadd.s32 $0x1BC00, s1  }
0xd: {  	s0 =	ssub.s32 s0, s7;
	s7 =	simm.s32 $0x2;
	s6 =	sadd.s32 $0x1BA00, s5  }
0xe: {  	s5 =	sadd.s32 $0x1BB00, s5;
	s4 =	sadd.s32 s4, s1;
	[dreg:$0x2] =	wrdreg s6  }
0xf: {  	[dreg:$0x4] =	wrdreg s5;
	s5 =	sadd.s32 $0x1BE00, s1;
	s6 =	smax.u32 s0, $0x1  }
0x10: {  	v2 =	vlaneseq.u32;
	s0 =	simm.s32 $0x1;
	s25 =	sadd.s32 $0x7BC00, s4;
	s26 =	sadd.s32 $0xABC00, s4  }
0x11: {  	vm0 =	vmmov $0xffff;
	v1 =	vshrl.u32 v2, $0x3;
	s4 =	sadd.s32 $0x1BD00, s1;
	s1 =	simm.s32 $0x80;
	[dreg:$0x3] =	wrdreg s25  }
0x12: {  	v0 =	vand.u32 $0x7, v2;
	v2 =	vor.u32 $0x8, v2;
	v1 =	vmul.u32 $0x8, v1;
	[dreg:$0x5] =	wrdreg s26;
	s25 =	simm.s32 $0x8080;
	s26 =	simm.s32 $0x8880  }
.LBB2_1:
0x13: {  	s9 =	rddreg [dreg:$0x2]  }
0x14: {  	[tilespmem:s2], [sflag:$0x2] =	stream.linear.gather [hbm4b:s9+s2], $0x40, $0x38;
	[tilespmem:$0xC080] =	vst v63  }
0x15: {  	_ =	swait.ge [sflag:s7], $0x40  }
0x16: {  	[sflag:s7] =	ssyncset.done $0x0  }
0x17: {  	[sflag:s7] =	ssyncadd.s32 $0xFFFFFFC0  }
0x18: {  	v3 =	vld [tilespmem:$0x0];
	_ =	sdelay $0x4  }
0x19: {  	v4 =	vshrl.u32 v3, $0x3  }
0x1a: {  	v4 =	vmul.u32 $0x30, v4  }
0x1b: {  	v3 =	vand.u32 $0x7, v3  }
0x1c: {  	v3 =	vor.u32 v3, v4  }
0x1d: {  	v4 =	vperm.xlane v3, v0;
	_ =	sdelay $0x1  }
0x1e: {  	v4 =	vadd.s32 v1, v4;
	_ =	sdelay $0x3  }
0x1f: {  	v3 =	vperm.xlane v3, v2  }
0x20: {  	[tilespmem:s1], [sflag:$0x1] =	stream.indirect_vreg.gather [hbm4b:s3+s2], $0x80, v4, vm0, $0xb8;
	[tilespmem:$0xC080] =	vst v63  }
0x21: {  	v3 =	vadd.s32 v1, v3  }
0x22: {  	[tilespmem:s10], [sflag:$0x1] =	stream.indirect_vreg.gather [hbm4b:s4+s2], $0x80, v4, vm0, $0xb8;
	[tilespmem:$0xC080] =	vst v63  }
0x23: {  	_ = 	snop  }
0x24: {  	[tilespmem:s11], [sflag:$0x1] =	stream.indirect_vreg.gather [hbm4b:s5+s2], $0x80, v4, vm0, $0xb8;
	[tilespmem:$0xC080] =	vst v63  }
0x25: {  	_ = 	snop  }
0x26: {  	[tilespmem:s12], [sflag:$0x1] =	stream.indirect_vreg.gather [hbm4b:s3+s2], $0x80, v3, vm0, $0xb8;
	[tilespmem:$0xC080] =	vst v63  }
0x27: {  	_ = 	snop  }
0x28: {  	[tilespmem:s13], [sflag:$0x1] =	stream.indirect_vreg.gather [hbm4b:s4+s2], $0x80, v3, vm0, $0xb8;
	[tilespmem:$0xC080] =	vst v63  }
0x29: {  	_ = 	snop  }
0x2a: {  	[tilespmem:s14], [sflag:$0x1] =	stream.indirect_vreg.gather [hbm4b:s5+s2], $0x80, v3, vm0, $0xb8;
	[tilespmem:$0xC080] =	vst v63  }
0x2b: {  	v3 =	vld [tilespmem:$0x10];
	_ =	sdelay $0x4  }
0x2c: {  	v57 =	vshrl.u32 v3, $0x3  }
0x2d: {  	v4 =	vmul.u32 $0x30, v57  }
0x2e: {  	v3 =	vand.u32 $0x7, v3  }
0x2f: {  	v3 =	vor.u32 v3, v4  }
0x30: {  	v4 =	vperm.xlane v3, v0;
	_ =	sdelay $0x1  }
0x31: {  	v4 =	vadd.s32 v1, v4;
	_ =	sdelay $0x3  }
0x32: {  	v3 =	vperm.xlane v3, v2  }
0x33: {  	[tilespmem:s15], [sflag:$0x1] =	stream.indirect_vreg.gather [hbm4b:s3+s2], $0x80, v4, vm0, $0xb8;
	[tilespmem:$0xC080] =	vst v63  }
0x34: {  	v3 =	vadd.s32 v1, v3  }
0x35: {  	[tilespmem:s16], [sflag:$0x1] =	stream.indirect_vreg.gather [hbm4b:s4+s2], $0x80, v4, vm0, $0xb8;
	[tilespmem:$0xC080] =	vst v63  }
0x36: {  	_ = 	snop  }
0x37: {  	[tilespmem:s17], [sflag:$0x1] =	stream.indirect_vreg.gather [hbm4b:s5+s2], $0x80, v4, vm0, $0xb8;
	[tilespmem:$0xC080] =	vst v63  }
0x38: {  	_ = 	snop  }
0x39: {  	[tilespmem:s18], [sflag:$0x1] =	stream.indirect_vreg.gather [hbm4b:s3+s2], $0x80, v3, vm0, $0xb8;
	[tilespmem:$0xC080] =	vst v63  }
0x3a: {  	_ = 	snop  }
0x3b: {  	[tilespmem:s19], [sflag:$0x1] =	stream.indirect_vreg.gather [hbm4b:s4+s2], $0x80, v3, vm0, $0xb8;
	[tilespmem:$0xC080] =	vst v63  }
0x3c: {  	_ = 	snop  }
0x3d: {  	[tilespmem:s20], [sflag:$0x1] =	stream.indirect_vreg.gather [hbm4b:s5+s2], $0x80, v3, vm0, $0xb8;
	[tilespmem:$0xC080] =	vst v63  }
0x3e: {  	v3 =	vld [tilespmem:$0x20];
	_ =	sdelay $0x4  }
0x3f: {  	v58 =	vshrl.u32 v3, $0x3  }
0x40: {  	v4 =	vmul.u32 $0x30, v58  }
0x41: {  	v3 =	vand.u32 $0x7, v3  }
0x42: {  	v3 =	vor.u32 v3, v4  }
0x43: {  	v4 =	vperm.xlane v3, v0;
	_ =	sdelay $0x1  }
0x44: {  	v4 =	vadd.s32 v1, v4;
	_ =	sdelay $0x3  }
0x45: {  	v3 =	vperm.xlane v3, v2  }
0x46: {  	[tilespmem:s21], [sflag:$0x1] =	stream.indirect_vreg.gather [hbm4b:s3+s2], $0x80, v4, vm0, $0xb8;
	[tilespmem:$0xC080] =	vst v63  }
0x47: {  	v3 =	vadd.s32 v1, v3  }
0x48: {  	[tilespmem:s22], [sflag:$0x1] =	stream.indirect_vreg.gather [hbm4b:s4+s2], $0x80, v4, vm0, $0xb8;
	[tilespmem:$0xC080] =	vst v63  }
0x49: {  	_ = 	snop  }
0x4a: {  	[tilespmem:s23], [sflag:$0x1] =	stream.indirect_vreg.gather [hbm4b:s5+s2], $0x80, v4, vm0, $0xb8;
	[tilespmem:$0xC080] =	vst v63  }
0x4b: {  	_ = 	snop  }
0x4c: {  	[tilespmem:s24], [sflag:$0x1] =	stream.indirect_vreg.gather [hbm4b:s3+s2], $0x80, v3, vm0, $0xb8;
	[tilespmem:$0xC080] =	vst v63  }
0x4d: {  	_ = 	snop  }
0x4e: {  	[tilespmem:s25], [sflag:$0x1] =	stream.indirect_vreg.gather [hbm4b:s4+s2], $0x80, v3, vm0, $0xb8;
	[tilespmem:$0xC080] =	vst v63  }
0x4f: {  	_ = 	snop  }
0x50: {  	[tilespmem:s26], [sflag:$0x1] =	stream.indirect_vreg.gather [hbm4b:s5+s2], $0x80, v3, vm0, $0xb8;
	[tilespmem:$0xC080] =	vst v63  }
0x51: {  	v3 =	vld [tilespmem:$0x30];
	_ =	sdelay $0x4  }
0x52: {  	v59 =	vshrl.u32 v3, $0x3  }
0x53: {  	v4 =	vmul.u32 $0x30, v59  }
0x54: {  	v3 =	vand.u32 $0x7, v3  }
0x55: {  	v3 =	vor.u32 v3, v4  }
0x56: {  	v4 =	vperm.xlane v3, v0;
	_ =	sdelay $0x1  }
0x57: {  	v4 =	vadd.s32 v1, v4;
	_ =	sdelay $0x3  }
0x58: {  	v3 =	vperm.xlane v3, v2  }
0x59: {  	[tilespmem:s28], [sflag:$0x1] =	stream.indirect_vreg.gather [hbm4b:s3+s2], $0x80, v4, vm0, $0xb8;
	[tilespmem:$0xC080] =	vst v63  }
0x5a: {  	v3 =	vadd.s32 v1, v3  }
0x5b: {  	[tilespmem:s29], [sflag:$0x1] =	stream.indirect_vreg.gather [hbm4b:s4+s2], $0x80, v4, vm0, $0xb8;
	[tilespmem:$0xC080] =	vst v63  }
0x5c: {  	_ = 	snop  }
0x5d: {  	[tilespmem:s30], [sflag:$0x1] =	stream.indirect_vreg.gather [hbm4b:s5+s2], $0x80, v4, vm0, $0xb8;
	[tilespmem:$0xC080] =	vst v63  }
0x5e: {  	_ = 	snop  }
0x5f: {  	[tilespmem:s31], [sflag:$0x1] =	stream.indirect_vreg.gather [hbm4b:s3+s2], $0x80, v3, vm0, $0xb8;
	[tilespmem:$0xC080] =	vst v63  }
0x60: {  	s8 =	simm.s32 $0xB080  }
0x61: {  	[tilespmem:s8], [sflag:$0x1] =	stream.indirect_vreg.gather [hbm4b:s4+s2], $0x80, v3, vm0, $0xb8;
	[tilespmem:$0xC080] =	vst v63  }
0x62: {  	s8 =	simm.s32 $0xB880  }
0x63: {  	[tilespmem:s8], [sflag:$0x1] =	stream.indirect_vreg.gather [hbm4b:s5+s2], $0x80, v3, vm0, $0xb8;
	[tilespmem:$0xC080] =	vst v63  }
0x64: {  	_ =	swait.ge [sflag:s0], $0xC000  }
0x65: {  	[sflag:s0] =	ssyncset.done $0x0  }
0x66: {  	s9 =	rddreg [dreg:$0x3];
	[sflag:s0] =	ssyncadd.s32 $0xFFFF4000  }
0x67: {  	[hbm4b:s9+s2] =	stream.linear.scatter [tilespmem:s1], [sflag:$0x2], $0xC000, $0x38;
	[tilespmem:$0xC080] =	vst v63  }
0x68: {  	_ =	swait.ge [sflag:s7], $0xC000  }
0x69: {  	[sflag:s7] =	ssyncset.done $0x0  }
0x6a: {  	s9 =	rddreg [dreg:$0x4];
	[sflag:s7] =	ssyncadd.s32 $0xFFFF4000  }
0x6b: {  	[tilespmem:s2], [sflag:$0x2] =	stream.linear.gather [hbm4b:s9+s2], $0x40, $0x38;
	[tilespmem:$0xC080] =	vst v63  }
0x6c: {  	_ =	swait.ge [sflag:s7], $0x40  }
0x6d: {  	[sflag:s7] =	ssyncset.done $0x0  }
0x6e: {  	[sflag:s7] =	ssyncadd.s32 $0xFFFFFFC0  }
0x6f: {  	v3 =	vld [tilespmem:$0x0];
	_ =	sdelay $0x4  }
0x70: {  	v60 =	vshrl.u32 v3, $0x3  }
0x71: {  	v4 =	vmul.u32 $0x30, v60  }
0x72: {  	v3 =	vand.u32 $0x7, v3  }
0x73: {  	v3 =	vor.u32 v3, v4  }
0x74: {  	v4 =	vperm.xlane v3, v0;
	_ =	sdelay $0x1  }
0x75: {  	v4 =	vadd.s32 v1, v4;
	_ =	sdelay $0x3  }
0x76: {  	v3 =	vperm.xlane v3, v2  }
0x77: {  	[tilespmem:s1], [sflag:$0x1] =	stream.indirect_vreg.gather [hbm4b:s3+s2], $0x80, v4, vm0, $0xb8;
	[tilespmem:$0xC080] =	vst v63  }
0x78: {  	v3 =	vadd.s32 v1, v3  }
0x79: {  	[tilespmem:s10], [sflag:$0x1] =	stream.indirect_vreg.gather [hbm4b:s4+s2], $0x80, v4, vm0, $0xb8;
	[tilespmem:$0xC080] =	vst v63  }
0x7a: {  	_ = 	snop  }
0x7b: {  	[tilespmem:s11], [sflag:$0x1] =	stream.indirect_vreg.gather [hbm4b:s5+s2], $0x80, v4, vm0, $0xb8;
	[tilespmem:$0xC080] =	vst v63  }
0x7c: {  	_ = 	snop  }
0x7d: {  	[tilespmem:s12], [sflag:$0x1] =	stream.indirect_vreg.gather [hbm4b:s3+s2], $0x80, v3, vm0, $0xb8;
	[tilespmem:$0xC080] =	vst v63  }
0x7e: {  	_ = 	snop  }
0x7f: {  	[tilespmem:s13], [sflag:$0x1] =	stream.indirect_vreg.gather [hbm4b:s4+s2], $0x80, v3, vm0, $0xb8;
	[tilespmem:$0xC080] =	vst v63  }
0x80: {  	_ = 	snop  }
0x81: {  	[tilespmem:s14], [sflag:$0x1] =	stream.indirect_vreg.gather [hbm4b:s5+s2], $0x80, v3, vm0, $0xb8;
	[tilespmem:$0xC080] =	vst v63  }
0x82: {  	v3 =	vld [tilespmem:$0x10];
	_ =	sdelay $0x4  }
0x83: {  	v61 =	vshrl.u32 v3, $0x3  }
0x84: {  	v4 =	vmul.u32 $0x30, v61  }
0x85: {  	v3 =	vand.u32 $0x7, v3  }
0x86: {  	v3 =	vor.u32 v3, v4  }
0x87: {  	v4 =	vperm.xlane v3, v0;
	_ =	sdelay $0x1  }
0x88: {  	v4 =	vadd.s32 v1, v4;
	_ =	sdelay $0x3  }
0x89: {  	v3 =	vperm.xlane v3, v2  }
0x8a: {  	[tilespmem:s15], [sflag:$0x1] =	stream.indirect_vreg.gather [hbm4b:s3+s2], $0x80, v4, vm0, $0xb8;
	[tilespmem:$0xC080] =	vst v63  }
0x8b: {  	v3 =	vadd.s32 v1, v3  }
0x8c: {  	[tilespmem:s16], [sflag:$0x1] =	stream.indirect_vreg.gather [hbm4b:s4+s2], $0x80, v4, vm0, $0xb8;
	[tilespmem:$0xC080] =	vst v63  }
0x8d: {  	_ = 	snop  }
0x8e: {  	[tilespmem:s17], [sflag:$0x1] =	stream.indirect_vreg.gather [hbm4b:s5+s2], $0x80, v4, vm0, $0xb8;
	[tilespmem:$0xC080] =	vst v63  }
0x8f: {  	_ = 	snop  }
0x90: {  	[tilespmem:s18], [sflag:$0x1] =	stream.indirect_vreg.gather [hbm4b:s3+s2], $0x80, v3, vm0, $0xb8;
	[tilespmem:$0xC080] =	vst v63  }
0x91: {  	_ = 	snop  }
0x92: {  	[tilespmem:s19], [sflag:$0x1] =	stream.indirect_vreg.gather [hbm4b:s4+s2], $0x80, v3, vm0, $0xb8;
	[tilespmem:$0xC080] =	vst v63  }
0x93: {  	_ = 	snop  }
0x94: {  	[tilespmem:s20], [sflag:$0x1] =	stream.indirect_vreg.gather [hbm4b:s5+s2], $0x80, v3, vm0, $0xb8;
	[tilespmem:$0xC080] =	vst v63  }
0x95: {  	v3 =	vld [tilespmem:$0x20];
	_ =	sdelay $0x4  }
0x96: {  	v62 =	vshrl.u32 v3, $0x3  }
0x97: {  	v4 =	vmul.u32 $0x30, v62  }
0x98: {  	v3 =	vand.u32 $0x7, v3  }
0x99: {  	v3 =	vor.u32 v3, v4  }
0x9a: {  	v4 =	vperm.xlane v3, v0;
	_ =	sdelay $0x1  }
0x9b: {  	v4 =	vadd.s32 v1, v4;
	_ =	sdelay $0x3  }
0x9c: {  	v3 =	vperm.xlane v3, v2  }
0x9d: {  	[tilespmem:s21], [sflag:$0x1] =	stream.indirect_vreg.gather [hbm4b:s3+s2], $0x80, v4, vm0, $0xb8;
	[tilespmem:$0xC080] =	vst v63  }
0x9e: {  	v3 =	vadd.s32 v1, v3  }
0x9f: {  	[tilespmem:s22], [sflag:$0x1] =	stream.indirect_vreg.gather [hbm4b:s4+s2], $0x80, v4, vm0, $0xb8;
	[tilespmem:$0xC080] =	vst v63  }
0xa0: {  	_ = 	snop  }
0xa1: {  	[tilespmem:s23], [sflag:$0x1] =	stream.indirect_vreg.gather [hbm4b:s5+s2], $0x80, v4, vm0, $0xb8;
	[tilespmem:$0xC080] =	vst v63  }
0xa2: {  	_ = 	snop  }
0xa3: {  	[tilespmem:s24], [sflag:$0x1] =	stream.indirect_vreg.gather [hbm4b:s3+s2], $0x80, v3, vm0, $0xb8;
	[tilespmem:$0xC080] =	vst v63  }
0xa4: {  	_ = 	snop  }
0xa5: {  	[tilespmem:s25], [sflag:$0x1] =	stream.indirect_vreg.gather [hbm4b:s4+s2], $0x80, v3, vm0, $0xb8;
	[tilespmem:$0xC080] =	vst v63  }
0xa6: {  	_ = 	snop  }
0xa7: {  	[tilespmem:s26], [sflag:$0x1] =	stream.indirect_vreg.gather [hbm4b:s5+s2], $0x80, v3, vm0, $0xb8;
	[tilespmem:$0xC080] =	vst v63  }
0xa8: {  	v3 =	vld [tilespmem:$0x30];
	_ =	sdelay $0x4  }
0xa9: {  	v63 =	vshrl.u32 v3, $0x3  }
0xaa: {  	v4 =	vmul.u32 $0x30, v63  }
0xab: {  	v3 =	vand.u32 $0x7, v3  }
0xac: {  	v3 =	vor.u32 v3, v4  }
0xad: {  	v4 =	vperm.xlane v3, v0;
	_ =	sdelay $0x1  }
0xae: {  	v4 =	vadd.s32 v1, v4;
	_ =	sdelay $0x3  }
0xaf: {  	v3 =	vperm.xlane v3, v2  }
0xb0: {  	[tilespmem:s28], [sflag:$0x1] =	stream.indirect_vreg.gather [hbm4b:s3+s2], $0x80, v4, vm0, $0xb8;
	[tilespmem:$0xC080] =	vst v63  }
0xb1: {  	v3 =	vadd.s32 v1, v3  }
0xb2: {  	[tilespmem:s29], [sflag:$0x1] =	stream.indirect_vreg.gather [hbm4b:s4+s2], $0x80, v4, vm0, $0xb8;
	[tilespmem:$0xC080] =	vst v63  }
0xb3: {  	_ = 	snop  }
0xb4: {  	[tilespmem:s30], [sflag:$0x1] =	stream.indirect_vreg.gather [hbm4b:s5+s2], $0x80, v4, vm0, $0xb8;
	[tilespmem:$0xC080] =	vst v63  }
0xb5: {  	_ = 	snop  }
0xb6: {  	[tilespmem:s31], [sflag:$0x1] =	stream.indirect_vreg.gather [hbm4b:s3+s2], $0x80, v3, vm0, $0xb8;
	[tilespmem:$0xC080] =	vst v63  }
0xb7: {  	s9 =	simm.s32 $0xB080  }
0xb8: {  	[tilespmem:s9], [sflag:$0x1] =	stream.indirect_vreg.gather [hbm4b:s4+s2], $0x80, v3, vm0, $0xb8;
	[tilespmem:$0xC080] =	vst v63  }
0xb9: {  	_ = 	snop  }
0xba: {  	[tilespmem:s8], [sflag:$0x1] =	stream.indirect_vreg.gather [hbm4b:s5+s2], $0x80, v3, vm0, $0xb8;
	[tilespmem:$0xC080] =	vst v63  }
0xbb: {  	_ =	swait.ge [sflag:s0], $0xC000  }
0xbc: {  	p0 =	sne.s32 s6, $0x1;
	[sflag:s0] =	ssyncset.done $0x0  }
.Ltmp0:
0xbd: {  	s8 =	rddreg [dreg:$0x5];
	[sflag:s0] =	ssyncadd.s32 $0xFFFF4000;
	(pc) =	sbr.rel @p0 .LBB2_1-.Ltmp0, $4  }
0xbe: {  	[hbm4b:s8+s2] =	stream.linear.scatter [tilespmem:s1], [sflag:$0x2], $0xC000, $0x38;
	[tilespmem:$0xC080] =	vst v63  }
0xbf: {  	_ =	swait.ge [sflag:s7], $0xC000  }
0xc0: {  	[sflag:s7] =	ssyncset.done $0x0  }
0xc1: {  	s6 =	sadd.s32 $0xFFFFFFFF, s6;
	[sflag:s7] =	ssyncadd.s32 $0xFFFF4000  }
0xc2: {  	_ =	sfence.sel $0x180000  }
0xc3: {  	[bflag:$0x0] =	sbarrier.arrive $0xFFFF  }
0xc4: {  	_ =	strace $0x9000004A  }
0xc5: {  	s0 =	stileid.u32;
	[bflag:$0x2] =	sbarrier.arrive $0xFFFF  }
0xc6: {  	p0 =	sne.s32 s0, $0x0;
	s0 =	rddreg [dreg:$0x1]  }
0xc7: {  	s0 =	sadd.s32 @!p0 $0x100000, s0  }
0xc8: {  	[sflag:s0] =	ssyncadd.tile.s32 @!p0 $0x1;
	_ =	shalt  }
.Lfunc_end2:
_tile_overlayer_lowered:
.L_overlay_start_2:
0xc9: {  	(tag) =	ssettag $0x2  }
0xca: {  	s0 =	rddreg [dreg:$0x0];
	s2 =	stileid.u32  }
0xcb: {  	s1 =	rddreg [dreg:$0x1];
	p0 =	sne.s32 s2, $0x0  }
0xcc: {  	s3 =	rddreg [dreg:$0x2];
	[bflag:$0x3] =	sbarrier.arrive $0xFFFF;
	s2 =	simm.s32 @!p0 $0x1C02  }
0xcd: {  	[timem:s3], [sflag:s2] =	dma.local @!p0 [hbm:s0], s1  }
0xce: {  	s0 =	simm.s32 @!p0 $0x2  }
0xcf: {  	_ =	swait.ge @!p0 [sflag:s0], s1  }
0xd0: {  	s1 =	ssub.s32 @!p0 $0x0, s1;
	[sflag:s0] =	ssyncset.done @!p0 $0x0  }
0xd1: {  	[sflag:s0] =	ssyncadd.s32 @!p0 s1  }
0xd2: {  	[bflag:$0x3] =	sbarrier.arrive $0xFFFF  }
0xd3: {  	_ =	shalt  }

</sc_bundles>
